<compile_context>
chip_gen: v7x
topology: tpu7x:2x2x1
jax: 0.10.2.dev20260603
libtpu: 0.0.44.dev20260713+nightly
codegen_flags: <defaults>
</compile_context>

<pallas_src>
import jax
import jax.numpy as jnp
from jax import lax
from jax.experimental import pallas as pl
from jax.experimental.pallas import tpu as pltpu
from jax.experimental.pallas import tpu_sc as plsc

NUM_JOINTS = 17
NSEG = 256
N_NODES = 65536
L = 16
NW = 32
CHUNK = N_NODES // NW



def _sc_stats_body(tags_hbm, lbl_hbm, per_hbm, bat_hbm,
                   stats_out, bs_out,
                   tag_v, lbl_v, per_v, bat_v,
                   acc_sum, acc_sq, acc_cnt, red_v):
    nc = 2
    wid = lax.axis_index("s") * nc + lax.axis_index("c")
    base = wid * CHUNK

    pltpu.sync_copy(tags_hbm.at[pl.ds(base, CHUNK)], tag_v)
    pltpu.sync_copy(lbl_hbm.at[pl.ds(base, CHUNK)], lbl_v)
    pltpu.sync_copy(per_hbm.at[pl.ds(base, CHUNK)], per_v)
    pltpu.sync_copy(bat_hbm.at[pl.ds(base, CHUNK)], bat_v)

    zf = jnp.zeros((L,), jnp.float32)

    def zero_big(i, c):
        off = i * L
        acc_sum[pl.ds(off, L)] = zf
        acc_sq[pl.ds(off, L)] = zf
        acc_cnt[pl.ds(off, L)] = zf
        return c
    lax.fori_loop(0, (L * NSEG) // L, zero_big, 0)

    lane = lax.iota(jnp.int32, L)

    def body(j, c):
        off = j * L
        t = tag_v[pl.ds(off, L)]
        lbl = lbl_v[pl.ds(off, L)]
        per = per_v[pl.ds(off, L)]
        bat = bat_v[pl.ds(off, L)]
        mf = jnp.where(lbl == 1, 1.0, 0.0)
        tm = t * mf
        addr = lane * NSEG + bat * 32 + per
        plsc.addupdate_scatter(acc_sum, [addr], tm)
        plsc.addupdate_scatter(acc_sq, [addr], t * tm)
        plsc.addupdate_scatter(acc_cnt, [addr], mf)
        return c
    lax.fori_loop(0, CHUNK // L, body, 0)

    def red(i, c):
        cc = i // L
        r = i % L
        o = cc * L
        v = acc_sum[pl.ds(r * NSEG + o, L)]
        q = acc_sq[pl.ds(r * NSEG + o, L)]
        n = acc_cnt[pl.ds(r * NSEG + o, L)]
        @pl.when(r == 0)
        def _():
            red_v[pl.ds(o, L)] = v
            red_v[pl.ds(NSEG + o, L)] = q
            red_v[pl.ds(2 * NSEG + o, L)] = n
        @pl.when(r != 0)
        def _():
            red_v[pl.ds(o, L)] = red_v[pl.ds(o, L)] + v
            red_v[pl.ds(NSEG + o, L)] = red_v[pl.ds(NSEG + o, L)] + q
            red_v[pl.ds(2 * NSEG + o, L)] = red_v[pl.ds(2 * NSEG + o, L)] + n
        return c
    lax.fori_loop(0, NSEG, red, 0)

    pltpu.sync_copy(red_v, stats_out.at[wid])

    @pl.when(wid == NW - 1)
    def _():
        last = jnp.max(bat_v[pl.ds(CHUNK - L, L)])
        bsv = jnp.where(lane == 0, (last + 1).astype(jnp.float32), 0.0)
        red_v[pl.ds(0, L)] = bsv
        pltpu.sync_copy(red_v.at[pl.ds(0, L)], bs_out.at[pl.ds(0, L)])


def _sc_stats(pred_tags, node_labels, node_person, batch_index):
    mesh = plsc.VectorSubcoreMesh(core_axis_name="c", subcore_axis_name="s")
    f32 = jnp.float32
    out_type = (
        jax.ShapeDtypeStruct((NW, 3 * NSEG), f32),
        jax.ShapeDtypeStruct((128,), f32),
    )
    scratch = [
        pltpu.VMEM((CHUNK,), f32),
        pltpu.VMEM((CHUNK,), jnp.int32),
        pltpu.VMEM((CHUNK,), jnp.int32),
        pltpu.VMEM((CHUNK,), jnp.int32),
        pltpu.VMEM((L * NSEG,), f32),
        pltpu.VMEM((L * NSEG,), f32),
        pltpu.VMEM((L * NSEG,), f32),
        pltpu.VMEM((3 * NSEG,), f32),
    ]
    k = pl.kernel(_sc_stats_body, out_type=out_type, mesh=mesh,
                  scratch_types=scratch,
                  compiler_params=pltpu.CompilerParams(
                      needs_layout_passes=False))
    return k(pred_tags, node_labels, node_person, batch_index)



def _tc_mse_body(p0, p1, p2, p3, g0, g1, g2, g3, m0, m1, m2, m3, out, acc):
    i = pl.program_id(0)
    part = (jnp.sum((p0[0] - g0[0]) ** 2 * m0[0][None, :, :])
            + jnp.sum((p1[0] - g1[0]) ** 2 * m1[0][None, :, :])
            + jnp.sum((p2[0] - g2[0]) ** 2 * m2[0][None, :, :])
            + jnp.sum((p3[0] - g3[0]) ** 2 * m3[0][None, :, :]))
    total = jnp.where(i == 0, 0.0, acc[0]) + part
    acc[0] = total

    @pl.when(i == pl.num_programs(0) - 1)
    def _():
        lane = lax.broadcasted_iota(jnp.int32, (1, 128), 1)
        out[...] = jnp.where(lane == 0, total, 0.0)


def _tc_mse(pred_heatmap, gt_heatmap, heatmap_mask):
    grid = (pred_heatmap.shape[0],)
    hms = [pl.BlockSpec((1, NUM_JOINTS, 64, 256), lambda i, q=q: (i, 0, q, 0))
           for q in range(4)]
    mks = [pl.BlockSpec((1, 64, 256), lambda i, q=q: (i, q, 0))
           for q in range(4)]
    return pl.pallas_call(
        _tc_mse_body,
        grid=grid,
        in_specs=hms + hms + mks,
        out_specs=pl.BlockSpec((1, 128), lambda i: (0, 0)),
        out_shape=jax.ShapeDtypeStruct((1, 128), jnp.float32),
        scratch_shapes=[pltpu.SMEM((1,), jnp.float32)],
    )(*([pred_heatmap] * 4 + [gt_heatmap] * 4 + [heatmap_mask] * 4))



def _tc_fin_body(hm, st, bsr, out):
    total = hm[0, 0]
    S = jnp.sum(st[:, 0:NSEG], axis=0, keepdims=True)
    Q = jnp.sum(st[:, NSEG:2 * NSEG], axis=0, keepdims=True)
    C = jnp.sum(st[:, 2 * NSEG:3 * NSEG], axis=0, keepdims=True)

    safe_c = jnp.maximum(C, 1.0)
    mean = S / safe_c
    pull_seg = (Q - 2.0 * mean * S + C * mean * mean) / safe_c

    colb = lax.broadcasted_iota(jnp.int32, (8, NSEG), 1)
    imgrow = lax.broadcasted_iota(jnp.int32, (8, NSEG), 0)
    pb = colb % 32
    sel = (colb // 32) == imgrow
    occb = jnp.broadcast_to(C > 0, (8, NSEG)) & sel & (pb < 30)
    nt = jnp.max(jnp.where(occb, pb + 1, 0), axis=1, keepdims=True)
    ntf = nt.astype(jnp.float32)

    validb = sel & (pb < nt) & (pb < 30)
    pull_i = jnp.sum(
        jnp.where(validb, jnp.broadcast_to(pull_seg, (8, NSEG)), 0.0),
        axis=1, keepdims=True) / jnp.maximum(ntf, 1.0)

    vf = jnp.sum(jnp.where(validb, 1.0, 0.0), axis=0, keepdims=True)

    r2 = lax.broadcasted_iota(jnp.int32, (NSEG, NSEG), 0)
    c2i = lax.broadcasted_iota(jnp.int32, (NSEG, NSEG), 1)
    ident = (r2 == c2i).astype(jnp.float32)
    nt_dims = (((1,), (1,)), ((), ()))
    mean_col = lax.dot_general(ident, mean, nt_dims,
                               preferred_element_type=jnp.float32)
    v_col = lax.dot_general(ident, vf, nt_dims,
                            preferred_element_type=jnp.float32)

    same = (r2 // 32) == (c2i // 32)
    pairm = same & (v_col > 0.5) & (jnp.broadcast_to(vf, (NSEG, NSEG)) > 0.5)
    d = jnp.broadcast_to(mean_col, (NSEG, NSEG)) - jnp.broadcast_to(mean, (NSEG, NSEG))
    P = jnp.where(pairm, jnp.exp(-(d * d)), 0.0)
    rowsum = jnp.sum(P, axis=1, keepdims=True)
    push_raw = lax.dot_general(sel.astype(jnp.float32), rowsum,
                               (((1,), (0,)), ((), ())),
                               preferred_element_type=jnp.float32)

    denom = jnp.maximum((ntf - 1.0) * ntf, 1.0)
    push_i = jnp.where(nt <= 1, 0.0, (push_raw - ntf) / denom * 0.5)

    bsf = jnp.maximum(bsr[0, 0], 1.0)
    tag_loss = (jnp.sum(push_i) + jnp.sum(pull_i)) / bsf
    hm_loss = total / (8.0 * NUM_JOINTS * 256.0 * 256.0)

    out[0] = hm_loss
    out[1] = tag_loss


def _tc_finish(hm_part, stats, bsr):
    return pl.pallas_call(
        _tc_fin_body,
        in_specs=[
            pl.BlockSpec((1, 128), lambda: (0, 0)),
            pl.BlockSpec((NW, 3 * NSEG), lambda: (0, 0)),
            pl.BlockSpec((1, 128), lambda: (0, 0)),
        ],
        out_specs=pl.BlockSpec(memory_space=pltpu.SMEM),
        out_shape=jax.ShapeDtypeStruct((2,), jnp.float32),
    )(hm_part, stats, bsr)


def kernel(pred_heatmap, gt_heatmap, heatmap_mask, pred_tags, node_labels,
           node_person, batch_index):
    stats, bsv = _sc_stats(pred_tags, node_labels, node_person, batch_index)
    hm_part = _tc_mse(pred_heatmap, gt_heatmap, heatmap_mask)
    return _tc_finish(hm_part, stats, bsv.reshape(1, 128))

# --- scband reference (transcript-rebuilt; emitter-appended) ---
"""Pipeline reference for scband-pure-tag-multi-loss-factory-50105088475389 (READ-ONLY COPY).

The authoritative reference and input builder live on the scoring server;
editing this copy changes nothing except your own understanding.
"""

import jax, jax.numpy as jnp
import numpy as np

NUM_JOINTS = 17
HEATMAPS_LOSS_FACTOR = 1.0
PUSH_LOSS_FACTOR = 1.0
PULL_LOSS_FACTOR = 1.0
MAX_TAGS = 30


def setup_inputs(seed: int = 0) -> dict:
    key = jax.random.key(seed)
    ks = jax.random.split(key, 6)
    pred_heatmap = jax.random.normal(ks[0], (8, 34, 256, 256), dtype=jnp.float32)
    gt_heatmap = jax.random.uniform(ks[1], (8, 17, 256, 256), dtype=jnp.float32)
    heatmap_mask = jnp.ones((8, 256, 256), dtype=jnp.float32)
    pred_tags = jax.random.normal(ks[2], (65536,), dtype=jnp.float32)
    node_labels = jax.random.randint(ks[3], (65536,), 0, 2, dtype=jnp.int32)
    node_person = jax.random.randint(ks[4], (65536,), 0, 30, dtype=jnp.int32)
    batch_index = jnp.sort(jax.random.randint(ks[5], (65536,), 0, 8, dtype=jnp.int32))
    return {"pred_heatmap": pred_heatmap, "gt_heatmap": gt_heatmap,
            "heatmap_mask": heatmap_mask, "pred_tags": pred_tags,
            "node_labels": node_labels, "node_person": node_person,
            "batch_index": batch_index}


def _single_tag_loss(tags, person, mask, num_tags):
    # scatter_mean over person labels
    seg = jnp.where(mask, person, MAX_TAGS)
    sums = jax.ops.segment_sum(tags, seg, num_segments=MAX_TAGS + 1)
    counts = jax.ops.segment_sum(jnp.ones_like(tags), seg, num_segments=MAX_TAGS + 1)
    safe = jnp.maximum(counts, 1.0)
    means = sums / safe
    sq = (tags - jnp.take(means, seg)) ** 2
    valid = jnp.arange(MAX_TAGS + 1) < num_tags
    pull_seg = jax.ops.segment_sum(sq, seg, num_segments=MAX_TAGS + 1) / safe
    pull = jnp.sum(jnp.where(valid, pull_seg, 0.0))
    nt_f = num_tags.astype(jnp.float32)
    safe_nt = jnp.maximum(nt_f, 1.0)
    A = jnp.broadcast_to(means[None, :], (MAX_TAGS + 1, MAX_TAGS + 1))
    Bm = A.T
    diff = A - Bm
    # loss_type == 'exp'
    pair = valid[:, None] & valid[None, :]
    push = jnp.sum(jnp.where(pair, jnp.exp(-(diff ** 2)), 0.0)) - nt_f
    denom = jnp.maximum((nt_f - 1.0) * nt_f, 1.0)
    push = jnp.where(num_tags <= 1, jnp.asarray(0.0, jnp.float32), push / denom * 0.5)
    return push, pull / safe_nt


def reference(pred_heatmap, gt_heatmap, heatmap_mask, pred_tags, node_labels, node_person, batch_index):
    # HeatmapLoss (stage 0, heatmaps_loss_factor[0]=1.0)
    hm_pred = pred_heatmap[:, :NUM_JOINTS]
    loss = (hm_pred - gt_heatmap) ** 2 * heatmap_mask[:, None, :, :]
    per_image = loss.mean(axis=3).mean(axis=2).mean(axis=1)
    heatmap_loss = per_image.mean() * HEATMAPS_LOSS_FACTOR
    # NodeAELoss on nodes with node_labels == 1 (sync_tags=False, WITH_AE_LOSS=[False])
    lbl = node_labels == 1
    bs = jnp.max(batch_index) + 1
    pushes, pulls = [], []
    for i in range(pred_heatmap.shape[0]):
        mask = lbl & (batch_index == i)
        num_tags = jnp.max(jnp.where(mask, node_person, -1)) + 1
        push, pull = _single_tag_loss(pred_tags, node_person, mask, num_tags)
        active = i < bs
        pushes.append(jnp.where(active, push, 0.0))
        pulls.append(jnp.where(active, pull, 0.0))
    bs_f = bs.astype(jnp.float32)
    push_mean = jnp.stack(pushes).sum() / bs_f
    pull_mean = jnp.stack(pulls).sum() / bs_f
    tag_loss = push_mean * PUSH_LOSS_FACTOR + pull_mean * PULL_LOSS_FACTOR
    return jnp.stack([heatmap_loss, tag_loss])

if __name__ == "__main__":
    import jax
    _d = setup_inputs()
    print(jax.jit(kernel)(*tuple(_d.values())))

</pallas_src>

<mosaic_0001>
#map = affine_map<(d0, d1) -> (0)>
#map1 = affine_map<(d0, d1) -> (0, 0)>
module attributes {stable_mosaic.version = 14 : i64} {
  func.func @_sc_stats_body(%arg0: i32, %arg1: i32, %arg2: memref<65536xf32, #tpu.memory_space<hbm>>, %arg3: memref<65536xi32, #tpu.memory_space<hbm>>, %arg4: memref<65536xi32, #tpu.memory_space<hbm>>, %arg5: memref<65536xi32, #tpu.memory_space<hbm>>, %arg6: memref<32x768xf32, #tpu.memory_space<hbm>>, %arg7: memref<128xf32, #tpu.memory_space<hbm>>, %arg8: memref<2048xf32, #tpu.memory_space<vmem>>, %arg9: memref<2048xi32, #tpu.memory_space<vmem>>, %arg10: memref<2048xi32, #tpu.memory_space<vmem>>, %arg11: memref<2048xi32, #tpu.memory_space<vmem>>, %arg12: memref<4096xf32, #tpu.memory_space<vmem>>, %arg13: memref<4096xf32, #tpu.memory_space<vmem>>, %arg14: memref<4096xf32, #tpu.memory_space<vmem>>, %arg15: memref<768xf32, #tpu.memory_space<vmem>>) attributes {dimension_semantics = [#tpu.dimension_semantics<core_parallel>, #tpu.dimension_semantics<subcore_parallel>], iteration_bounds = array<i64: 2, 16>, scalar_prefetch = 0 : i64, scratch_operands = 8 : i64, tpu.core_type = #tpu.core_type<sc_vector_subcore>, window_params = [{transform_indices = #map}, {transform_indices = #map}, {transform_indices = #map}, {transform_indices = #map}, {transform_indices = #map1}, {transform_indices = #map}]} {
    %mul3A = arith.constant 2 : i32
    %mul3A_0 = arith.muli %arg1, %mul3A : i32
    %add3A = arith.addi %mul3A_0, %arg0 : i32
    %mul3A_1 = arith.constant 2048 : i32
    %mul3A_2 = arith.muli %add3A, %mul3A_1 : i32
    "tpu.region"() ({
      %run_scoped3A = tpu.sem_alloc : memref<!tpu.dma_semaphore, #tpu.memory_space<semaphore_mem>>
      %dma_start3A = tpu.memref_slice %arg2[%mul3A_2] : memref<65536xf32, #tpu.memory_space<hbm>> -> memref<2048xf32, #tpu.memory_space<hbm>>
      %dma_start3A_23 = tpu.memref_slice %arg2[%mul3A_2] : memref<65536xf32, #tpu.memory_space<hbm>> -> memref<2048xf32, #tpu.memory_space<hbm>>
      tpu.enqueue_dma source(%dma_start3A_23 : memref<2048xf32, #tpu.memory_space<hbm>>) target(%arg8 : memref<2048xf32, #tpu.memory_space<vmem>>) target_semaphore(%run_scoped3A : memref<!tpu.dma_semaphore, #tpu.memory_space<semaphore_mem>>)
      %dma_wait3A = tpu.memref_slice %arg2[%mul3A_2] : memref<65536xf32, #tpu.memory_space<hbm>> -> memref<2048xf32, #tpu.memory_space<hbm>>
      %dma_wait3A_24 = tpu.memref_slice %arg2[%mul3A_2] : memref<65536xf32, #tpu.memory_space<hbm>> -> memref<2048xf32, #tpu.memory_space<hbm>>
      tpu.wait_dma2 semaphore(%run_scoped3A : memref<!tpu.dma_semaphore, #tpu.memory_space<semaphore_mem>>) src(%dma_wait3A_24 : memref<2048xf32, #tpu.memory_space<hbm>>) dst(%arg8 : memref<2048xf32, #tpu.memory_space<vmem>>)
      tpu.yield
    }) : () -> ()
    "tpu.region"() ({
      %run_scoped3A = tpu.sem_alloc : memref<!tpu.dma_semaphore, #tpu.memory_space<semaphore_mem>>
      %dma_start3A = tpu.memref_slice %arg3[%mul3A_2] : memref<65536xi32, #tpu.memory_space<hbm>> -> memref<2048xi32, #tpu.memory_space<hbm>>
      %dma_start3A_23 = tpu.memref_slice %arg3[%mul3A_2] : memref<65536xi32, #tpu.memory_space<hbm>> -> memref<2048xi32, #tpu.memory_space<hbm>>
      tpu.enqueue_dma source(%dma_start3A_23 : memref<2048xi32, #tpu.memory_space<hbm>>) target(%arg9 : memref<2048xi32, #tpu.memory_space<vmem>>) target_semaphore(%run_scoped3A : memref<!tpu.dma_semaphore, #tpu.memory_space<semaphore_mem>>)
      %dma_wait3A = tpu.memref_slice %arg3[%mul3A_2] : memref<65536xi32, #tpu.memory_space<hbm>> -> memref<2048xi32, #tpu.memory_space<hbm>>
      %dma_wait3A_24 = tpu.memref_slice %arg3[%mul3A_2] : memref<65536xi32, #tpu.memory_space<hbm>> -> memref<2048xi32, #tpu.memory_space<hbm>>
      tpu.wait_dma2 semaphore(%run_scoped3A : memref<!tpu.dma_semaphore, #tpu.memory_space<semaphore_mem>>) src(%dma_wait3A_24 : memref<2048xi32, #tpu.memory_space<hbm>>) dst(%arg9 : memref<2048xi32, #tpu.memory_space<vmem>>)
      tpu.yield
    }) : () -> ()
    "tpu.region"() ({
      %run_scoped3A = tpu.sem_alloc : memref<!tpu.dma_semaphore, #tpu.memory_space<semaphore_mem>>
      %dma_start3A = tpu.memref_slice %arg4[%mul3A_2] : memref<65536xi32, #tpu.memory_space<hbm>> -> memref<2048xi32, #tpu.memory_space<hbm>>
      %dma_start3A_23 = tpu.memref_slice %arg4[%mul3A_2] : memref<65536xi32, #tpu.memory_space<hbm>> -> memref<2048xi32, #tpu.memory_space<hbm>>
      tpu.enqueue_dma source(%dma_start3A_23 : memref<2048xi32, #tpu.memory_space<hbm>>) target(%arg10 : memref<2048xi32, #tpu.memory_space<vmem>>) target_semaphore(%run_scoped3A : memref<!tpu.dma_semaphore, #tpu.memory_space<semaphore_mem>>)
      %dma_wait3A = tpu.memref_slice %arg4[%mul3A_2] : memref<65536xi32, #tpu.memory_space<hbm>> -> memref<2048xi32, #tpu.memory_space<hbm>>
      %dma_wait3A_24 = tpu.memref_slice %arg4[%mul3A_2] : memref<65536xi32, #tpu.memory_space<hbm>> -> memref<2048xi32, #tpu.memory_space<hbm>>
      tpu.wait_dma2 semaphore(%run_scoped3A : memref<!tpu.dma_semaphore, #tpu.memory_space<semaphore_mem>>) src(%dma_wait3A_24 : memref<2048xi32, #tpu.memory_space<hbm>>) dst(%arg10 : memref<2048xi32, #tpu.memory_space<vmem>>)
      tpu.yield
    }) : () -> ()
    "tpu.region"() ({
      %run_scoped3A = tpu.sem_alloc : memref<!tpu.dma_semaphore, #tpu.memory_space<semaphore_mem>>
      %dma_start3A = tpu.memref_slice %arg5[%mul3A_2] : memref<65536xi32, #tpu.memory_space<hbm>> -> memref<2048xi32, #tpu.memory_space<hbm>>
      %dma_start3A_23 = tpu.memref_slice %arg5[%mul3A_2] : memref<65536xi32, #tpu.memory_space<hbm>> -> memref<2048xi32, #tpu.memory_space<hbm>>
      tpu.enqueue_dma source(%dma_start3A_23 : memref<2048xi32, #tpu.memory_space<hbm>>) target(%arg11 : memref<2048xi32, #tpu.memory_space<vmem>>) target_semaphore(%run_scoped3A : memref<!tpu.dma_semaphore, #tpu.memory_space<semaphore_mem>>)
      %dma_wait3A = tpu.memref_slice %arg5[%mul3A_2] : memref<65536xi32, #tpu.memory_space<hbm>> -> memref<2048xi32, #tpu.memory_space<hbm>>
      %dma_wait3A_24 = tpu.memref_slice %arg5[%mul3A_2] : memref<65536xi32, #tpu.memory_space<hbm>> -> memref<2048xi32, #tpu.memory_space<hbm>>
      tpu.wait_dma2 semaphore(%run_scoped3A : memref<!tpu.dma_semaphore, #tpu.memory_space<semaphore_mem>>) src(%dma_wait3A_24 : memref<2048xi32, #tpu.memory_space<hbm>>) dst(%arg11 : memref<2048xi32, #tpu.memory_space<vmem>>)
      tpu.yield
    }) : () -> ()
    %broadcast_in_dim3A = arith.constant 0.000000e+00 : f32
    %broadcast_in_dim3A_3 = vector.broadcast %broadcast_in_dim3A : f32 to vector<16xf32>
    %scan3A = arith.constant 0 : i32
    %scan3A_4 = arith.constant 0 : i32
    %scan3A_5 = arith.constant 256 : i32
    %scan3A_6 = arith.addi %scan3A_4, %scan3A_5 : i32
    %scan3A_7 = arith.constant 1 : i32
    scf.for %scan3A_23 = %scan3A_4 to %scan3A_6 step %scan3A_7  : i32 {
      %mul3A_24 = arith.constant 16 : i32
      %mul3A_25 = arith.muli %scan3A_23, %mul3A_24 : i32
      %swap3A = arith.index_cast %mul3A_25 : i32 to index
      %swap3A_26 = tpu.vector_load %arg12[%swap3A] {strides = array<i32>} : memref<4096xf32, #tpu.memory_space<vmem>>, vector<16xf32>,
      tpu.vector_store %arg12[%swap3A], %broadcast_in_dim3A_3 {strides = array<i32>} : memref<4096xf32, #tpu.memory_space<vmem>>, vector<16xf32>,
      %swap3A_27 = arith.index_cast %mul3A_25 : i32 to index
      %swap3A_28 = tpu.vector_load %arg13[%swap3A_27] {strides = array<i32>} : memref<4096xf32, #tpu.memory_space<vmem>>, vector<16xf32>,
      tpu.vector_store %arg13[%swap3A_27], %broadcast_in_dim3A_3 {strides = array<i32>} : memref<4096xf32, #tpu.memory_space<vmem>>, vector<16xf32>,
      %swap3A_29 = arith.index_cast %mul3A_25 : i32 to index
      %swap3A_30 = tpu.vector_load %arg14[%swap3A_29] {strides = array<i32>} : memref<4096xf32, #tpu.memory_space<vmem>>, vector<16xf32>,
      tpu.vector_store %arg14[%swap3A_29], %broadcast_in_dim3A_3 {strides = array<i32>} : memref<4096xf32, #tpu.memory_space<vmem>>, vector<16xf32>,
    }
    %scan3A_8 = arith.constant 256 : i32
    %iota3A = tpu.iota {dimensions = array<i32: 0>} : vector<16xi32>
    %scan3A_9 = arith.constant 0 : i32
    %scan3A_10 = arith.constant 0 : i32
    %scan3A_11 = arith.constant 128 : i32
    %scan3A_12 = arith.addi %scan3A_10, %scan3A_11 : i32
    %scan3A_13 = arith.constant 1 : i32
    scf.for %scan3A_23 = %scan3A_10 to %scan3A_12 step %scan3A_13  : i32 {
      %mul3A_24 = arith.constant 16 : i32
      %mul3A_25 = arith.muli %scan3A_23, %mul3A_24 : i32
      %get3A = arith.index_cast %mul3A_25 : i32 to index
      %get3A_26 = tpu.vector_load %arg8[%get3A] {strides = array<i32>} : memref<2048xf32, #tpu.memory_space<vmem>>, vector<16xf32>,
      %get3A_27 = arith.index_cast %mul3A_25 : i32 to index
      %get3A_28 = tpu.vector_load %arg9[%get3A_27] {strides = array<i32>} : memref<2048xi32, #tpu.memory_space<vmem>>, vector<16xi32>,
      %get3A_29 = arith.index_cast %mul3A_25 : i32 to index
      %get3A_30 = tpu.vector_load %arg10[%get3A_29] {strides = array<i32>} : memref<2048xi32, #tpu.memory_space<vmem>>, vector<16xi32>,
      %get3A_31 = arith.index_cast %mul3A_25 : i32 to index
      %get3A_32 = tpu.vector_load %arg11[%get3A_31] {strides = array<i32>} : memref<2048xi32, #tpu.memory_space<vmem>>, vector<16xi32>,
      %eq3A_33 = arith.constant 1 : i32
      %eq3A_34 = vector.broadcast %eq3A_33 : i32 to vector<16xi32>
      %eq3A_35 = arith.cmpi eq, %get3A_28, %eq3A_34 : vector<16xi32>
      %jit3A = arith.constant 1.000000e+00 : f32
      %jit3A_36 = arith.constant 0.000000e+00 : f32
      %broadcast_in_dim3A_37 = vector.broadcast %jit3A : f32 to vector<16xf32>
      %broadcast_in_dim3A_38 = vector.broadcast %jit3A_36 : f32 to vector<16xf32>
      %select_n3A = arith.select %eq3A_35, %broadcast_in_dim3A_37, %broadcast_in_dim3A_38 : vector<16xi1>, vector<16xf32>
      %mul3A_39 = arith.mulf %get3A_26, %select_n3A : vector<16xf32>
      %mul3A_40 = arith.constant 256 : i32
      %mul3A_41 = vector.broadcast %mul3A_40 : i32 to vector<16xi32>
      %mul3A_42 = arith.muli %iota3A, %mul3A_41 : vector<16xi32>
      %mul3A_43 = arith.constant 32 : i32
      %mul3A_44 = vector.broadcast %mul3A_43 : i32 to vector<16xi32>
      %mul3A_45 = arith.muli %get3A_32, %mul3A_44 : vector<16xi32>
      %add3A_46 = arith.addi %mul3A_42, %mul3A_45 : vector<16xi32>
      %add3A_47 = arith.addi %add3A_46, %get3A_30 : vector<16xi32>
      tpu.vector_store_idx %arg12[%add3A_47], %mul3A_39 {add = true} : memref<4096xf32, #tpu.memory_space<vmem>>[vector<16xi32>], vector<16xf32>,
      %mul3A_48 = arith.mulf %get3A_26, %mul3A_39 : vector<16xf32>
      tpu.vector_store_idx %arg13[%add3A_47], %mul3A_48 {add = true} : memref<4096xf32, #tpu.memory_space<vmem>>[vector<16xi32>], vector<16xf32>,
      tpu.vector_store_idx %arg14[%add3A_47], %select_n3A {add = true} : memref<4096xf32, #tpu.memory_space<vmem>>[vector<16xi32>], vector<16xf32>,
    }
    %scan3A_14 = arith.constant 128 : i32
    %scan3A_15 = arith.constant 0 : i32
    %scan3A_16 = arith.constant 0 : i32
    %scan3A_17 = arith.constant 256 : i32
    %scan3A_18 = arith.addi %scan3A_16, %scan3A_17 : i32
    %scan3A_19 = arith.constant 1 : i32
    scf.for %scan3A_23 = %scan3A_16 to %scan3A_18 step %scan3A_19  : i32 {
      %jit3A = arith.constant 16 : i32
      %div3A = arith.divsi %scan3A_23, %jit3A : i32
      %sign3A = arith.constant 0 : i32
      %sign3A_24 = arith.cmpi sgt, %scan3A_23, %sign3A : i32
      %sign3A_25 = arith.extui %sign3A_24 : i1 to i32
      %sign3A_26 = arith.constant 0 : i32
      %sign3A_27 = arith.cmpi slt, %scan3A_23, %sign3A_26 : i32
      %sign3A_28 = arith.extui %sign3A_27 : i1 to i32
      %sign3A_29 = arith.subi %sign3A_25, %sign3A_28 : i32
      %sign3A_30 = arith.constant 0 : i32
      %sign3A_31 = arith.cmpi sgt, %jit3A, %sign3A_30 : i32
      %sign3A_32 = arith.extui %sign3A_31 : i1 to i32
      %sign3A_33 = arith.constant 0 : i32
      %sign3A_34 = arith.cmpi slt, %jit3A, %sign3A_33 : i32
      %sign3A_35 = arith.extui %sign3A_34 : i1 to i32
      %sign3A_36 = arith.subi %sign3A_32, %sign3A_35 : i32
      %ne3A = arith.cmpi ne, %sign3A_29, %sign3A_36 : i32
      %rem3A = arith.remsi %scan3A_23, %jit3A : i32
      %ne3A_37 = arith.constant 0 : i32
      %ne3A_38 = arith.cmpi ne, %rem3A, %ne3A_37 : i32
      %and3A = arith.andi %ne3A, %ne3A_38 : i1
      %sub3A = arith.constant 1 : i32
      %sub3A_39 = arith.subi %div3A, %sub3A : i32
      %select_n3A = arith.select %and3A, %sub3A_39, %div3A : i32
      %jit3A_40 = arith.constant 16 : i32
      %eq3A_41 = arith.constant 0 : i32
      %eq3A_42 = arith.cmpi eq, %jit3A_40, %eq3A_41 : i32
      %jit3A_43 = arith.constant 1 : i32
      %select_n3A_44 = arith.select %eq3A_42, %jit3A_43, %jit3A_40 : i32
      %rem3A_45 = arith.remsi %scan3A_23, %select_n3A_44 : i32
      %ne3A_46 = arith.constant 0 : i32
      %ne3A_47 = arith.cmpi ne, %rem3A_45, %ne3A_46 : i32
      %lt3A = arith.constant 0 : i32
      %lt3A_48 = arith.cmpi slt, %rem3A_45, %lt3A : i32
      %lt3A_49 = arith.constant 0 : i32
      %lt3A_50 = arith.cmpi slt, %select_n3A_44, %lt3A_49 : i32
      %ne3A_51 = arith.xori %lt3A_48, %lt3A_50 : i1
      %and3A_52 = arith.andi %ne3A_51, %ne3A_47 : i1
      %add3A_53 = arith.addi %rem3A_45, %select_n3A_44 : i32
      %select_n3A_54 = arith.select %and3A_52, %add3A_53, %rem3A_45 : i32
      %mul3A_55 = arith.constant 16 : i32
      %mul3A_56 = arith.muli %select_n3A, %mul3A_55 : i32
      %mul3A_57 = arith.constant 256 : i32
      %mul3A_58 = arith.muli %select_n3A_54, %mul3A_57 : i32
      %add3A_59 = arith.addi %mul3A_58, %mul3A_56 : i32
      %get3A = arith.index_cast %add3A_59 : i32 to index
      %get3A_60 = tpu.vector_load %arg12[%get3A] {strides = array<i32>} : memref<4096xf32, #tpu.memory_space<vmem>>, vector<16xf32>,
      %mul3A_61 = arith.constant 256 : i32
      %mul3A_62 = arith.muli %select_n3A_54, %mul3A_61 : i32
      %add3A_63 = arith.addi %mul3A_62, %mul3A_56 : i32
      %get3A_64 = arith.index_cast %add3A_63 : i32 to index
      %get3A_65 = tpu.vector_load %arg13[%get3A_64] {strides = array<i32>} : memref<4096xf32, #tpu.memory_space<vmem>>, vector<16xf32>,
      %mul3A_66 = arith.constant 256 : i32
      %mul3A_67 = arith.muli %select_n3A_54, %mul3A_66 : i32
      %add3A_68 = arith.addi %mul3A_67, %mul3A_56 : i32
      %get3A_69 = arith.index_cast %add3A_68 : i32 to index
      %get3A_70 = tpu.vector_load %arg14[%get3A_69] {strides = array<i32>} : memref<4096xf32, #tpu.memory_space<vmem>>, vector<16xf32>,
      %eq3A_71 = arith.constant 0 : i32
      %eq3A_72 = arith.cmpi eq, %select_n3A_54, %eq3A_71 : i32
      %convert_element_type3A_73 = arith.extui %eq3A_72 : i1 to i32
      %cond3A_74 = arith.constant 0 : i32
      %cond3A_75 = arith.cmpi ne, %convert_element_type3A_73, %cond3A_74 : i32
      scf.if %cond3A_75 {
        %swap3A = arith.index_cast %mul3A_56 : i32 to index
        %swap3A_81 = tpu.vector_load %arg15[%swap3A] {strides = array<i32>} : memref<768xf32, #tpu.memory_space<vmem>>, vector<16xf32>,
        tpu.vector_store %arg15[%swap3A], %get3A_60 {strides = array<i32>} : memref<768xf32, #tpu.memory_space<vmem>>, vector<16xf32>,
        %add3A_82 = arith.constant 256 : i32
        %add3A_83 = arith.addi %add3A_82, %mul3A_56 : i32
        %swap3A_84 = arith.index_cast %add3A_83 : i32 to index
        %swap3A_85 = tpu.vector_load %arg15[%swap3A_84] {strides = array<i32>} : memref<768xf32, #tpu.memory_space<vmem>>, vector<16xf32>,
        tpu.vector_store %arg15[%swap3A_84], %get3A_65 {strides = array<i32>} : memref<768xf32, #tpu.memory_space<vmem>>, vector<16xf32>,
        %add3A_86 = arith.constant 512 : i32
        %add3A_87 = arith.addi %add3A_86, %mul3A_56 : i32
        %swap3A_88 = arith.index_cast %add3A_87 : i32 to index
        %swap3A_89 = tpu.vector_load %arg15[%swap3A_88] {strides = array<i32>} : memref<768xf32, #tpu.memory_space<vmem>>, vector<16xf32>,
        tpu.vector_store %arg15[%swap3A_88], %get3A_70 {strides = array<i32>} : memref<768xf32, #tpu.memory_space<vmem>>, vector<16xf32>,
      } else {
      }
      %ne3A_76 = arith.constant 0 : i32
      %ne3A_77 = arith.cmpi ne, %select_n3A_54, %ne3A_76 : i32
      %convert_element_type3A_78 = arith.extui %ne3A_77 : i1 to i32
      %cond3A_79 = arith.constant 0 : i32
      %cond3A_80 = arith.cmpi ne, %convert_element_type3A_78, %cond3A_79 : i32
      scf.if %cond3A_80 {
        %get3A_81 = arith.index_cast %mul3A_56 : i32 to index
        %get3A_82 = tpu.vector_load %arg15[%get3A_81] {strides = array<i32>} : memref<768xf32, #tpu.memory_space<vmem>>, vector<16xf32>,
        %add3A_83 = arith.addf %get3A_82, %get3A_60 : vector<16xf32>
        %swap3A = arith.index_cast %mul3A_56 : i32 to index
        %swap3A_84 = tpu.vector_load %arg15[%swap3A] {strides = array<i32>} : memref<768xf32, #tpu.memory_space<vmem>>, vector<16xf32>,
        tpu.vector_store %arg15[%swap3A], %add3A_83 {strides = array<i32>} : memref<768xf32, #tpu.memory_space<vmem>>, vector<16xf32>,
        %add3A_85 = arith.constant 256 : i32
        %add3A_86 = arith.addi %add3A_85, %mul3A_56 : i32
        %get3A_87 = arith.index_cast %add3A_86 : i32 to index
        %get3A_88 = tpu.vector_load %arg15[%get3A_87] {strides = array<i32>} : memref<768xf32, #tpu.memory_space<vmem>>, vector<16xf32>,
        %add3A_89 = arith.addf %get3A_88, %get3A_65 : vector<16xf32>
        %add3A_90 = arith.constant 256 : i32
        %add3A_91 = arith.addi %add3A_90, %mul3A_56 : i32
        %swap3A_92 = arith.index_cast %add3A_91 : i32 to index
        %swap3A_93 = tpu.vector_load %arg15[%swap3A_92] {strides = array<i32>} : memref<768xf32, #tpu.memory_space<vmem>>, vector<16xf32>,
        tpu.vector_store %arg15[%swap3A_92], %add3A_89 {strides = array<i32>} : memref<768xf32, #tpu.memory_space<vmem>>, vector<16xf32>,
        %add3A_94 = arith.constant 512 : i32
        %add3A_95 = arith.addi %add3A_94, %mul3A_56 : i32
        %get3A_96 = arith.index_cast %add3A_95 : i32 to index
        %get3A_97 = tpu.vector_load %arg15[%get3A_96] {strides = array<i32>} : memref<768xf32, #tpu.memory_space<vmem>>, vector<16xf32>,
        %add3A_98 = arith.addf %get3A_97, %get3A_70 : vector<16xf32>
        %add3A_99 = arith.constant 512 : i32
        %add3A_100 = arith.addi %add3A_99, %mul3A_56 : i32
        %swap3A_101 = arith.index_cast %add3A_100 : i32 to index
        %swap3A_102 = tpu.vector_load %arg15[%swap3A_101] {strides = array<i32>} : memref<768xf32, #tpu.memory_space<vmem>>, vector<16xf32>,
        tpu.vector_store %arg15[%swap3A_101], %add3A_98 {strides = array<i32>} : memref<768xf32, #tpu.memory_space<vmem>>, vector<16xf32>,
      } else {
      }
    }
    %scan3A_20 = arith.constant 256 : i32
    "tpu.region"() ({
      %run_scoped3A = tpu.sem_alloc : memref<!tpu.dma_semaphore, #tpu.memory_space<semaphore_mem>>
      %dma_start3A = arith.constant 0 : i32
      %dma_start3A_23 = tpu.memref_slice %arg6[%add3A, %dma_start3A] : memref<32x768xf32, #tpu.memory_space<hbm>> -> memref<1x768xf32, #tpu.memory_space<hbm>>
      %dma_start3A_24 = tpu.memref_squeeze %dma_start3A_23 : memref<1x768xf32, #tpu.memory_space<hbm>> -> memref<768xf32, #tpu.memory_space<hbm>>
      %dma_start3A_25 = arith.constant 0 : i32
      %dma_start3A_26 = tpu.memref_slice %arg6[%add3A, %dma_start3A_25] : memref<32x768xf32, #tpu.memory_space<hbm>> -> memref<1x768xf32, #tpu.memory_space<hbm>>
      %dma_start3A_27 = tpu.memref_squeeze %dma_start3A_26 : memref<1x768xf32, #tpu.memory_space<hbm>> -> memref<768xf32, #tpu.memory_space<hbm>>
      tpu.enqueue_dma source(%arg15 : memref<768xf32, #tpu.memory_space<vmem>>) target(%dma_start3A_27 : memref<768xf32, #tpu.memory_space<hbm>>) target_semaphore(%run_scoped3A : memref<!tpu.dma_semaphore, #tpu.memory_space<semaphore_mem>>)
      %dma_wait3A = arith.constant 0 : i32
      %dma_wait3A_28 = tpu.memref_slice %arg6[%add3A, %dma_wait3A] : memref<32x768xf32, #tpu.memory_space<hbm>> -> memref<1x768xf32, #tpu.memory_space<hbm>>
      %dma_wait3A_29 = tpu.memref_squeeze %dma_wait3A_28 : memref<1x768xf32, #tpu.memory_space<hbm>> -> memref<768xf32, #tpu.memory_space<hbm>>
      %dma_wait3A_30 = arith.constant 0 : i32
      %dma_wait3A_31 = tpu.memref_slice %arg6[%add3A, %dma_wait3A_30] : memref<32x768xf32, #tpu.memory_space<hbm>> -> memref<1x768xf32, #tpu.memory_space<hbm>>
      %dma_wait3A_32 = tpu.memref_squeeze %dma_wait3A_31 : memref<1x768xf32, #tpu.memory_space<hbm>> -> memref<768xf32, #tpu.memory_space<hbm>>
      tpu.wait_dma2 semaphore(%run_scoped3A : memref<!tpu.dma_semaphore, #tpu.memory_space<semaphore_mem>>) src(%arg15 : memref<768xf32, #tpu.memory_space<vmem>>) dst(%dma_wait3A_32 : memref<768xf32, #tpu.memory_space<hbm>>)
      tpu.yield
    }) : () -> ()
    %eq3A = arith.constant 31 : i32
    %eq3A_21 = arith.cmpi eq, %add3A, %eq3A : i32
    %convert_element_type3A = arith.extui %eq3A_21 : i1 to i32
    %cond3A = arith.constant 0 : i32
    %cond3A_22 = arith.cmpi ne, %convert_element_type3A, %cond3A : i32
    scf.if %cond3A_22 {
      %get3A = arith.constant 2032 : index
      %get3A_23 = tpu.vector_load %arg11[%get3A] {strides = array<i32>} : memref<2048xi32, #tpu.memory_space<vmem>>, vector<16xi32>,
      %reduce_max3A = arith.constant true
      %reduce_max3A_24 = vector.broadcast %reduce_max3A : i1 to vector<16xi1>
      %reduce_max3A_25 = arith.constant -2147483648 : i32
      %reduce_max3A_26 = vector.broadcast %reduce_max3A_25 : i32 to vector<16xi32>
      %reduce_max3A_27 = arith.xori %get3A_23, %reduce_max3A_26 : vector<16xi32>
      %reduce_max3A_28 = tpu.scan <max>, %reduce_max3A_27 masked %reduce_max3A_24 : vector<16xi32>, vector<16xi1> -> vector<16xi32>
      %reduce_max3A_29 = arith.xori %reduce_max3A_28, %reduce_max3A_26 : vector<16xi32>
      %reduce_max3A_30 = vector.extract %reduce_max3A_29[15] : i32 from vector<16xi32>
      %eq3A_31 = arith.constant 0 : i32
      %eq3A_32 = vector.broadcast %eq3A_31 : i32 to vector<16xi32>
      %eq3A_33 = arith.cmpi eq, %iota3A, %eq3A_32 : vector<16xi32>
      %add3A_34 = arith.constant 1 : i32
      %add3A_35 = arith.addi %reduce_max3A_30, %add3A_34 : i32
      %convert_element_type3A_36 = arith.sitofp %add3A_35 : i32 to f32
      %jit3A = arith.constant 0.000000e+00 : f32
      %broadcast_in_dim3A_37 = vector.broadcast %convert_element_type3A_36 : f32 to vector<16xf32>
      %broadcast_in_dim3A_38 = vector.broadcast %jit3A : f32 to vector<16xf32>
      %select_n3A = arith.select %eq3A_33, %broadcast_in_dim3A_37, %broadcast_in_dim3A_38 : vector<16xi1>, vector<16xf32>
      %swap3A = arith.constant 0 : index
      %swap3A_39 = tpu.vector_load %arg15[%swap3A] {strides = array<i32>} : memref<768xf32, #tpu.memory_space<vmem>>, vector<16xf32>,
      tpu.vector_store %arg15[%swap3A], %select_n3A {strides = array<i32>} : memref<768xf32, #tpu.memory_space<vmem>>, vector<16xf32>,
      "tpu.region"() ({
        %run_scoped3A = tpu.sem_alloc : memref<!tpu.dma_semaphore, #tpu.memory_space<semaphore_mem>>
        %dma_start3A = arith.constant 0 : i32
        %dma_start3A_40 = tpu.memref_slice %arg15[%dma_start3A] : memref<768xf32, #tpu.memory_space<vmem>> -> memref<16xf32, #tpu.memory_space<vmem>>
        %dma_start3A_41 = arith.constant 0 : i32
        %dma_start3A_42 = tpu.memref_slice %arg7[%dma_start3A_41] : memref<128xf32, #tpu.memory_space<hbm>> -> memref<16xf32, #tpu.memory_space<hbm>>
        %dma_start3A_43 = arith.constant 0 : i32
        %dma_start3A_44 = tpu.memref_slice %arg7[%dma_start3A_43] : memref<128xf32, #tpu.memory_space<hbm>> -> memref<16xf32, #tpu.memory_space<hbm>>
        %dma_start3A_45 = arith.constant 0 : i32
        %dma_start3A_46 = tpu.memref_slice %arg15[%dma_start3A_45] : memref<768xf32, #tpu.memory_space<vmem>> -> memref<16xf32, #tpu.memory_space<vmem>>
        tpu.enqueue_dma source(%dma_start3A_46 : memref<16xf32, #tpu.memory_space<vmem>>) target(%dma_start3A_44 : memref<16xf32, #tpu.memory_space<hbm>>) target_semaphore(%run_scoped3A : memref<!tpu.dma_semaphore, #tpu.memory_space<semaphore_mem>>)
        %dma_wait3A = arith.constant 0 : i32
        %dma_wait3A_47 = tpu.memref_slice %arg15[%dma_wait3A] : memref<768xf32, #tpu.memory_space<vmem>> -> memref<16xf32, #tpu.memory_space<vmem>>
        %dma_wait3A_48 = arith.constant 0 : i32
        %dma_wait3A_49 = tpu.memref_slice %arg7[%dma_wait3A_48] : memref<128xf32, #tpu.memory_space<hbm>> -> memref<16xf32, #tpu.memory_space<hbm>>
        %dma_wait3A_50 = arith.constant 0 : i32
        %dma_wait3A_51 = tpu.memref_slice %arg7[%dma_wait3A_50] : memref<128xf32, #tpu.memory_space<hbm>> -> memref<16xf32, #tpu.memory_space<hbm>>
        %dma_wait3A_52 = arith.constant 0 : i32
        %dma_wait3A_53 = tpu.memref_slice %arg15[%dma_wait3A_52] : memref<768xf32, #tpu.memory_space<vmem>> -> memref<16xf32, #tpu.memory_space<vmem>>
        tpu.wait_dma2 semaphore(%run_scoped3A : memref<!tpu.dma_semaphore, #tpu.memory_space<semaphore_mem>>) src(%dma_wait3A_53 : memref<16xf32, #tpu.memory_space<vmem>>) dst(%dma_wait3A_51 : memref<16xf32, #tpu.memory_space<hbm>>)
        tpu.yield
      }) : () -> ()
    } else {
    }
    return
  }
}

module attributes {stable_mosaic.version = 14 : i64} {
  func.func @_tc_fin_body(%arg0: memref<1x128xf32, #tpu.memory_space<vmem>>, %arg1: memref<32x768xf32, #tpu.memory_space<vmem>>, %arg2: memref<1x128xf32, #tpu.memory_space<vmem>>, %arg3: memref<2xf32, #tpu.memory_space<smem>>) attributes {dimension_semantics = [], scalar_prefetch = 0 : i64, scratch_operands = 0 : i64, tpu.core_type = #tpu.core_type<tc>} {
    %get3A = arith.constant 0 : index
    %get3A_0 = arith.constant 0 : index
    %get3A_1 = vector.load %arg0[%get3A, %get3A_0] : memref<1x128xf32, #tpu.memory_space<vmem>>, vector<1x1xf32>
    %get3A_2 = vector.extract %get3A_1[0, 0] : f32 from vector<1x1xf32>
    %get3A_3 = arith.constant 0 : index
    %get3A_4 = arith.constant 0 : index
    %get3A_5 = vector.load %arg1[%get3A_3, %get3A_4] : memref<32x768xf32, #tpu.memory_space<vmem>>, vector<32x256xf32>
    %reduce_sum3A = arith.constant dense<0.000000e+00> : vector<256xf32>
    %reduce_sum3A_6 = vector.multi_reduction <add>, %get3A_5, %reduce_sum3A [0] : vector<32x256xf32> to vector<256xf32>
    %broadcast_in_dim3A = vector.shape_cast %reduce_sum3A_6 : vector<256xf32> to vector<1x256xf32>
    %get3A_7 = arith.constant 0 : index
    %get3A_8 = arith.constant 256 : index
    %get3A_9 = vector.load %arg1[%get3A_7, %get3A_8] : memref<32x768xf32, #tpu.memory_space<vmem>>, vector<32x256xf32>
    %reduce_sum3A_10 = arith.constant dense<0.000000e+00> : vector<256xf32>
    %reduce_sum3A_11 = vector.multi_reduction <add>, %get3A_9, %reduce_sum3A_10 [0] : vector<32x256xf32> to vector<256xf32>
    %broadcast_in_dim3A_12 = vector.shape_cast %reduce_sum3A_11 : vector<256xf32> to vector<1x256xf32>
    %get3A_13 = arith.constant 0 : index
    %get3A_14 = arith.constant 512 : index
    %get3A_15 = vector.load %arg1[%get3A_13, %get3A_14] : memref<32x768xf32, #tpu.memory_space<vmem>>, vector<32x256xf32>
    %reduce_sum3A_16 = arith.constant dense<0.000000e+00> : vector<256xf32>
    %reduce_sum3A_17 = vector.multi_reduction <add>, %get3A_15, %reduce_sum3A_16 [0] : vector<32x256xf32> to vector<256xf32>
    %broadcast_in_dim3A_18 = vector.shape_cast %reduce_sum3A_17 : vector<256xf32> to vector<1x256xf32>
    %max3A = arith.constant 1.000000e+00 : f32
    %max3A_19 = vector.broadcast %max3A : f32 to vector<1x256xf32>
    %max3A_20 = arith.maximumf %broadcast_in_dim3A_18, %max3A_19 : vector<1x256xf32>
    %div3A = arith.divf %broadcast_in_dim3A, %max3A_20 : vector<1x256xf32>
    %mul3A = arith.constant 2.000000e+00 : f32
    %mul3A_21 = vector.broadcast %mul3A : f32 to vector<1x256xf32>
    %mul3A_22 = arith.mulf %mul3A_21, %div3A : vector<1x256xf32>
    %mul3A_23 = arith.mulf %mul3A_22, %broadcast_in_dim3A : vector<1x256xf32>
    %sub3A = arith.subf %broadcast_in_dim3A_12, %mul3A_23 : vector<1x256xf32>
    %mul3A_24 = arith.mulf %broadcast_in_dim3A_18, %div3A : vector<1x256xf32>
    %mul3A_25 = arith.mulf %mul3A_24, %div3A : vector<1x256xf32>
    %add3A = arith.addf %sub3A, %mul3A_25 : vector<1x256xf32>
    %div3A_26 = arith.divf %add3A, %max3A_20 : vector<1x256xf32>
    %iota3A = tpu.iota {dimensions = array<i32: 1>} : vector<8x256xi32>
    %iota3A_27 = tpu.iota {dimensions = array<i32: 0>} : vector<8x256xi32>
    %jit3A = arith.constant 32 : i32
    %eq3A = arith.constant 0 : i32
    %eq3A_28 = arith.cmpi eq, %jit3A, %eq3A : i32
    %jit3A_29 = arith.constant 1 : i32
    %select_n3A = arith.select %eq3A_28, %jit3A_29, %jit3A : i32
    %rem3A = vector.broadcast %select_n3A : i32 to vector<8x256xi32>
    %rem3A_30 = arith.remsi %iota3A, %rem3A : vector<8x256xi32>
    %ne3A = arith.constant 0 : i32
    %ne3A_31 = vector.broadcast %ne3A : i32 to vector<8x256xi32>
    %ne3A_32 = arith.cmpi ne, %rem3A_30, %ne3A_31 : vector<8x256xi32>
    %lt3A = arith.constant 0 : i32
    %lt3A_33 = vector.broadcast %lt3A : i32 to vector<8x256xi32>
    %lt3A_34 = arith.cmpi slt, %rem3A_30, %lt3A_33 : vector<8x256xi32>
    %lt3A_35 = arith.constant 0 : i32
    %lt3A_36 = arith.cmpi slt, %select_n3A, %lt3A_35 : i32
    %ne3A_37 = vector.broadcast %lt3A_36 : i1 to vector<8x256xi1>
    %ne3A_38 = vector.broadcast %ne3A_37 : vector<8x256xi1> to vector<8x256xi1>
    %ne3A_39 = arith.xori %lt3A_34, %ne3A_38 : vector<8x256xi1>
    %and3A = arith.andi %ne3A_39, %ne3A_32 : vector<8x256xi1>
    %add3A_40 = vector.broadcast %select_n3A : i32 to vector<8x256xi32>
    %add3A_41 = arith.addi %rem3A_30, %add3A_40 : vector<8x256xi32>
    %select_n3A_42 = arith.select %and3A, %add3A_41, %rem3A_30 : vector<8x256xi1>, vector<8x256xi32>
    %jit3A_43 = arith.constant 32 : i32
    %div3A_44 = vector.broadcast %jit3A_43 : i32 to vector<8x256xi32>
    %div3A_45 = arith.divsi %iota3A, %div3A_44 : vector<8x256xi32>
    %sign3A = arith.constant 0 : i32
    %sign3A_46 = vector.broadcast %sign3A : i32 to vector<8x256xi32>
    %sign3A_47 = arith.cmpi sgt, %iota3A, %sign3A_46 : vector<8x256xi32>
    %sign3A_48 = arith.extui %sign3A_47 : vector<8x256xi1> to vector<8x256xi32>
    %sign3A_49 = arith.constant 0 : i32
    %sign3A_50 = vector.broadcast %sign3A_49 : i32 to vector<8x256xi32>
    %sign3A_51 = arith.cmpi slt, %iota3A, %sign3A_50 : vector<8x256xi32>
    %sign3A_52 = arith.extui %sign3A_51 : vector<8x256xi1> to vector<8x256xi32>
    %sign3A_53 = arith.subi %sign3A_48, %sign3A_52 : vector<8x256xi32>
    %sign3A_54 = arith.constant 0 : i32
    %sign3A_55 = arith.cmpi sgt, %jit3A_43, %sign3A_54 : i32
    %sign3A_56 = arith.extui %sign3A_55 : i1 to i32
    %sign3A_57 = arith.constant 0 : i32
    %sign3A_58 = arith.cmpi slt, %jit3A_43, %sign3A_57 : i32
    %sign3A_59 = arith.extui %sign3A_58 : i1 to i32
    %sign3A_60 = arith.subi %sign3A_56, %sign3A_59 : i32
    %ne3A_61 = vector.broadcast %sign3A_60 : i32 to vector<8x256xi32>
    %ne3A_62 = arith.cmpi ne, %sign3A_53, %ne3A_61 : vector<8x256xi32>
    %rem3A_63 = vector.broadcast %jit3A_43 : i32 to vector<8x256xi32>
    %rem3A_64 = arith.remsi %iota3A, %rem3A_63 : vector<8x256xi32>
    %ne3A_65 = arith.constant 0 : i32
    %ne3A_66 = vector.broadcast %ne3A_65 : i32 to vector<8x256xi32>
    %ne3A_67 = arith.cmpi ne, %rem3A_64, %ne3A_66 : vector<8x256xi32>
    %and3A_68 = arith.andi %ne3A_62, %ne3A_67 : vector<8x256xi1>
    %sub3A_69 = arith.constant 1 : i32
    %sub3A_70 = vector.broadcast %sub3A_69 : i32 to vector<8x256xi32>
    %sub3A_71 = arith.subi %div3A_45, %sub3A_70 : vector<8x256xi32>
    %select_n3A_72 = arith.select %and3A_68, %sub3A_71, %div3A_45 : vector<8x256xi1>, vector<8x256xi32>
    %eq3A_73 = arith.cmpi eq, %select_n3A_72, %iota3A_27 : vector<8x256xi32>
    %gt3A = arith.constant 0.000000e+00 : f32
    %gt3A_74 = vector.broadcast %gt3A : f32 to vector<1x256xf32>
    %gt3A_75 = arith.cmpf ogt, %broadcast_in_dim3A_18, %gt3A_74 : vector<1x256xf32>
    %broadcast_in_dim3A_76 = vector.shape_cast %gt3A_75 : vector<1x256xi1> to vector<1x256xi1>
    %broadcast_in_dim3A_77 = vector.broadcast %broadcast_in_dim3A_76 : vector<1x256xi1> to vector<8x256xi1>
    %and3A_78 = arith.andi %broadcast_in_dim3A_77, %eq3A_73 : vector<8x256xi1>
    %lt3A_79 = arith.constant 30 : i32
    %lt3A_80 = vector.broadcast %lt3A_79 : i32 to vector<8x256xi32>
    %lt3A_81 = arith.cmpi slt, %select_n3A_42, %lt3A_80 : vector<8x256xi32>
    %and3A_82 = arith.andi %and3A_78, %lt3A_81 : vector<8x256xi1>
    %add3A_83 = arith.constant 1 : i32
    %add3A_84 = vector.broadcast %add3A_83 : i32 to vector<8x256xi32>
    %add3A_85 = arith.addi %select_n3A_42, %add3A_84 : vector<8x256xi32>
    %jit3A_86 = arith.constant 0 : i32
    %broadcast_in_dim3A_87 = vector.broadcast %jit3A_86 : i32 to vector<8x256xi32>
    %select_n3A_88 = arith.select %and3A_82, %add3A_85, %broadcast_in_dim3A_87 : vector<8x256xi1>, vector<8x256xi32>
    %reduce_max3A = arith.constant dense<-2147483648> : vector<8xi32>
    %reduce_max3A_89 = vector.multi_reduction <maxsi>, %select_n3A_88, %reduce_max3A [1] : vector<8x256xi32> to vector<8xi32>
    %broadcast_in_dim3A_90 = vector.shape_cast %reduce_max3A_89 : vector<8xi32> to vector<8x1xi32>
    %convert_element_type3A = arith.sitofp %broadcast_in_dim3A_90 : vector<8x1xi32> to vector<8x1xf32>
    %lt3A_91 = vector.broadcast %broadcast_in_dim3A_90 : vector<8x1xi32> to vector<8x256xi32>
    %lt3A_92 = arith.cmpi slt, %select_n3A_42, %lt3A_91 : vector<8x256xi32>
    %and3A_93 = arith.andi %eq3A_73, %lt3A_92 : vector<8x256xi1>
    %lt3A_94 = arith.constant 30 : i32
    %lt3A_95 = vector.broadcast %lt3A_94 : i32 to vector<8x256xi32>
    %lt3A_96 = arith.cmpi slt, %select_n3A_42, %lt3A_95 : vector<8x256xi32>
    %and3A_97 = arith.andi %and3A_93, %lt3A_96 : vector<8x256xi1>
    %broadcast_in_dim3A_98 = vector.shape_cast %div3A_26 : vector<1x256xf32> to vector<1x256xf32>
    %broadcast_in_dim3A_99 = vector.broadcast %broadcast_in_dim3A_98 : vector<1x256xf32> to vector<8x256xf32>
    %jit3A_100 = arith.constant 0.000000e+00 : f32
    %broadcast_in_dim3A_101 = vector.broadcast %jit3A_100 : f32 to vector<8x256xf32>
    %select_n3A_102 = arith.select %and3A_97, %broadcast_in_dim3A_99, %broadcast_in_dim3A_101 : vector<8x256xi1>, vector<8x256xf32>
    %reduce_sum3A_103 = arith.constant dense<0.000000e+00> : vector<8xf32>
    %reduce_sum3A_104 = vector.multi_reduction <add>, %select_n3A_102, %reduce_sum3A_103 [1] : vector<8x256xf32> to vector<8xf32>
    %broadcast_in_dim3A_105 = vector.shape_cast %reduce_sum3A_104 : vector<8xf32> to vector<8x1xf32>
    %max3A_106 = arith.constant 1.000000e+00 : f32
    %max3A_107 = vector.broadcast %max3A_106 : f32 to vector<8x1xf32>
    %max3A_108 = arith.maximumf %convert_element_type3A, %max3A_107 : vector<8x1xf32>
    %div3A_109 = arith.divf %broadcast_in_dim3A_105, %max3A_108 : vector<8x1xf32>
    %jit3A_110 = arith.constant 1.000000e+00 : f32
    %jit3A_111 = arith.constant 0.000000e+00 : f32
    %broadcast_in_dim3A_112 = vector.broadcast %jit3A_110 : f32 to vector<8x256xf32>
    %broadcast_in_dim3A_113 = vector.broadcast %jit3A_111 : f32 to vector<8x256xf32>
    %select_n3A_114 = arith.select %and3A_97, %broadcast_in_dim3A_112, %broadcast_in_dim3A_113 : vector<8x256xi1>, vector<8x256xf32>
    %reduce_sum3A_115 = arith.constant dense<0.000000e+00> : vector<256xf32>
    %reduce_sum3A_116 = vector.multi_reduction <add>, %select_n3A_114, %reduce_sum3A_115 [0] : vector<8x256xf32> to vector<256xf32>
    %broadcast_in_dim3A_117 = vector.shape_cast %reduce_sum3A_116 : vector<256xf32> to vector<1x256xf32>
    %iota3A_118 = tpu.iota {dimensions = array<i32: 0>} : vector<256x256xi32>
    %iota3A_119 = tpu.iota {dimensions = array<i32: 1>} : vector<256x256xi32>
    %eq3A_120 = arith.cmpi eq, %iota3A_118, %iota3A_119 : vector<256x256xi32>
    %convert_element_type3A_121 = arith.extui %eq3A_120 : vector<256x256xi1> to vector<256x256xi32>
    %convert_element_type3A_122 = arith.sitofp %convert_element_type3A_121 : vector<256x256xi32> to vector<256x256xf32>
    %dot_general3A = arith.constant dense<0.000000e+00> : vector<256x1xf32>
    %dot_general3A_123 = tpu.matmul %convert_element_type3A_122, %div3A, %dot_general3A {dimension_numbers = #tpu.dot_dimension_numbers<[1], [1], [0], [0], [0, 0, 1, 0], [], []>, transpose_lhs_hint = false} : vector<256x256xf32>, vector<1x256xf32>, vector<256x1xf32> -> vector<256x1xf32>
    %dot_general3A_124 = arith.constant dense<0.000000e+00> : vector<256x1xf32>
    %dot_general3A_125 = tpu.matmul %convert_element_type3A_122, %broadcast_in_dim3A_117, %dot_general3A_124 {dimension_numbers = #tpu.dot_dimension_numbers<[1], [1], [0], [0], [0, 0, 1, 0], [], []>, transpose_lhs_hint = false} : vector<256x256xf32>, vector<1x256xf32>, vector<256x1xf32> -> vector<256x1xf32>
    %jit3A_126 = arith.constant 32 : i32
    %div3A_127 = vector.broadcast %jit3A_126 : i32 to vector<256x256xi32>
    %div3A_128 = arith.divsi %iota3A_118, %div3A_127 : vector<256x256xi32>
    %sign3A_129 = arith.constant 0 : i32
    %sign3A_130 = vector.broadcast %sign3A_129 : i32 to vector<256x256xi32>
    %sign3A_131 = arith.cmpi sgt, %iota3A_118, %sign3A_130 : vector<256x256xi32>
    %sign3A_132 = arith.extui %sign3A_131 : vector<256x256xi1> to vector<256x256xi32>
    %sign3A_133 = arith.constant 0 : i32
    %sign3A_134 = vector.broadcast %sign3A_133 : i32 to vector<256x256xi32>
    %sign3A_135 = arith.cmpi slt, %iota3A_118, %sign3A_134 : vector<256x256xi32>
    %sign3A_136 = arith.extui %sign3A_135 : vector<256x256xi1> to vector<256x256xi32>
    %sign3A_137 = arith.subi %sign3A_132, %sign3A_136 : vector<256x256xi32>
    %sign3A_138 = arith.constant 0 : i32
    %sign3A_139 = arith.cmpi sgt, %jit3A_126, %sign3A_138 : i32
    %sign3A_140 = arith.extui %sign3A_139 : i1 to i32
    %sign3A_141 = arith.constant 0 : i32
    %sign3A_142 = arith.cmpi slt, %jit3A_126, %sign3A_141 : i32
    %sign3A_143 = arith.extui %sign3A_142 : i1 to i32
    %sign3A_144 = arith.subi %sign3A_140, %sign3A_143 : i32
    %ne3A_145 = vector.broadcast %sign3A_144 : i32 to vector<256x256xi32>
    %ne3A_146 = arith.cmpi ne, %sign3A_137, %ne3A_145 : vector<256x256xi32>
    %rem3A_147 = vector.broadcast %jit3A_126 : i32 to vector<256x256xi32>
    %rem3A_148 = arith.remsi %iota3A_118, %rem3A_147 : vector<256x256xi32>
    %ne3A_149 = arith.constant 0 : i32
    %ne3A_150 = vector.broadcast %ne3A_149 : i32 to vector<256x256xi32>
    %ne3A_151 = arith.cmpi ne, %rem3A_148, %ne3A_150 : vector<256x256xi32>
    %and3A_152 = arith.andi %ne3A_146, %ne3A_151 : vector<256x256xi1>
    %sub3A_153 = arith.constant 1 : i32
    %sub3A_154 = vector.broadcast %sub3A_153 : i32 to vector<256x256xi32>
    %sub3A_155 = arith.subi %div3A_128, %sub3A_154 : vector<256x256xi32>
    %select_n3A_156 = arith.select %and3A_152, %sub3A_155, %div3A_128 : vector<256x256xi1>, vector<256x256xi32>
    %jit3A_157 = arith.constant 32 : i32
    %div3A_158 = vector.broadcast %jit3A_157 : i32 to vector<256x256xi32>
    %div3A_159 = arith.divsi %iota3A_119, %div3A_158 : vector<256x256xi32>
    %sign3A_160 = arith.constant 0 : i32
    %sign3A_161 = vector.broadcast %sign3A_160 : i32 to vector<256x256xi32>
    %sign3A_162 = arith.cmpi sgt, %iota3A_119, %sign3A_161 : vector<256x256xi32>
    %sign3A_163 = arith.extui %sign3A_162 : vector<256x256xi1> to vector<256x256xi32>
    %sign3A_164 = arith.constant 0 : i32
    %sign3A_165 = vector.broadcast %sign3A_164 : i32 to vector<256x256xi32>
    %sign3A_166 = arith.cmpi slt, %iota3A_119, %sign3A_165 : vector<256x256xi32>
    %sign3A_167 = arith.extui %sign3A_166 : vector<256x256xi1> to vector<256x256xi32>
    %sign3A_168 = arith.subi %sign3A_163, %sign3A_167 : vector<256x256xi32>
    %sign3A_169 = arith.constant 0 : i32
    %sign3A_170 = arith.cmpi sgt, %jit3A_157, %sign3A_169 : i32
    %sign3A_171 = arith.extui %sign3A_170 : i1 to i32
    %sign3A_172 = arith.constant 0 : i32
    %sign3A_173 = arith.cmpi slt, %jit3A_157, %sign3A_172 : i32
    %sign3A_174 = arith.extui %sign3A_173 : i1 to i32
    %sign3A_175 = arith.subi %sign3A_171, %sign3A_174 : i32
    %ne3A_176 = vector.broadcast %sign3A_175 : i32 to vector<256x256xi32>
    %ne3A_177 = arith.cmpi ne, %sign3A_168, %ne3A_176 : vector<256x256xi32>
    %rem3A_178 = vector.broadcast %jit3A_157 : i32 to vector<256x256xi32>
    %rem3A_179 = arith.remsi %iota3A_119, %rem3A_178 : vector<256x256xi32>
    %ne3A_180 = arith.constant 0 : i32
    %ne3A_181 = vector.broadcast %ne3A_180 : i32 to vector<256x256xi32>
    %ne3A_182 = arith.cmpi ne, %rem3A_179, %ne3A_181 : vector<256x256xi32>
    %and3A_183 = arith.andi %ne3A_177, %ne3A_182 : vector<256x256xi1>
    %sub3A_184 = arith.constant 1 : i32
    %sub3A_185 = vector.broadcast %sub3A_184 : i32 to vector<256x256xi32>
    %sub3A_186 = arith.subi %div3A_159, %sub3A_185 : vector<256x256xi32>
    %select_n3A_187 = arith.select %and3A_183, %sub3A_186, %div3A_159 : vector<256x256xi1>, vector<256x256xi32>
    %eq3A_188 = arith.cmpi eq, %select_n3A_156, %select_n3A_187 : vector<256x256xi32>
    %gt3A_189 = arith.constant 5.000000e-01 : f32
    %gt3A_190 = vector.broadcast %gt3A_189 : f32 to vector<256x1xf32>
    %gt3A_191 = arith.cmpf ogt, %dot_general3A_125, %gt3A_190 : vector<256x1xf32>
    %and3A_192 = vector.broadcast %gt3A_191 : vector<256x1xi1> to vector<256x256xi1>
    %and3A_193 = arith.andi %eq3A_188, %and3A_192 : vector<256x256xi1>
    %broadcast_in_dim3A_194 = vector.shape_cast %broadcast_in_dim3A_117 : vector<1x256xf32> to vector<1x256xf32>
    %broadcast_in_dim3A_195 = vector.broadcast %broadcast_in_dim3A_194 : vector<1x256xf32> to vector<256x256xf32>
    %gt3A_196 = arith.constant 5.000000e-01 : f32
    %gt3A_197 = vector.broadcast %gt3A_196 : f32 to vector<256x256xf32>
    %gt3A_198 = arith.cmpf ogt, %broadcast_in_dim3A_195, %gt3A_197 : vector<256x256xf32>
    %and3A_199 = arith.andi %and3A_193, %gt3A_198 : vector<256x256xi1>
    %broadcast_in_dim3A_200 = vector.shape_cast %dot_general3A_123 : vector<256x1xf32> to vector<256x1xf32>
    %broadcast_in_dim3A_201 = vector.broadcast %broadcast_in_dim3A_200 : vector<256x1xf32> to vector<256x256xf32>
    %broadcast_in_dim3A_202 = vector.shape_cast %div3A : vector<1x256xf32> to vector<1x256xf32>
    %broadcast_in_dim3A_203 = vector.broadcast %broadcast_in_dim3A_202 : vector<1x256xf32> to vector<256x256xf32>
    %sub3A_204 = arith.subf %broadcast_in_dim3A_201, %broadcast_in_dim3A_203 : vector<256x256xf32>
    %mul3A_205 = arith.mulf %sub3A_204, %sub3A_204 : vector<256x256xf32>
    %neg3A = arith.constant 0.000000e+00 : f32
    %neg3A_206 = vector.broadcast %neg3A : f32 to vector<256x256xf32>
    %neg3A_207 = arith.subf %neg3A_206, %mul3A_205 : vector<256x256xf32>
    %exp3A = math.exp %neg3A_207 : vector<256x256xf32>
    %jit3A_208 = arith.constant 0.000000e+00 : f32
    %broadcast_in_dim3A_209 = vector.broadcast %jit3A_208 : f32 to vector<256x256xf32>
    %select_n3A_210 = arith.select %and3A_199, %exp3A, %broadcast_in_dim3A_209 : vector<256x256xi1>, vector<256x256xf32>
    %reduce_sum3A_211 = arith.constant dense<0.000000e+00> : vector<256xf32>
    %reduce_sum3A_212 = vector.multi_reduction <add>, %select_n3A_210, %reduce_sum3A_211 [1] : vector<256x256xf32> to vector<256xf32>
    %broadcast_in_dim3A_213 = vector.shape_cast %reduce_sum3A_212 : vector<256xf32> to vector<256x1xf32>
    %convert_element_type3A_214 = arith.extui %eq3A_73 : vector<8x256xi1> to vector<8x256xi32>
    %convert_element_type3A_215 = arith.sitofp %convert_element_type3A_214 : vector<8x256xi32> to vector<8x256xf32>
    %dot_general3A_216 = arith.constant dense<0.000000e+00> : vector<8x1xf32>
    %dot_general3A_217 = tpu.matmul %convert_element_type3A_215, %broadcast_in_dim3A_213, %dot_general3A_216 {dimension_numbers = #tpu.dot_dimension_numbers<[1], [0], [0], [1], [0, 0, 1, 1], [], []>, transpose_lhs_hint = false} : vector<8x256xf32>, vector<256x1xf32>, vector<8x1xf32> -> vector<8x1xf32>
    %sub3A_218 = arith.constant 1.000000e+00 : f32
    %sub3A_219 = vector.broadcast %sub3A_218 : f32 to vector<8x1xf32>
    %sub3A_220 = arith.subf %convert_element_type3A, %sub3A_219 : vector<8x1xf32>
    %mul3A_221 = arith.mulf %sub3A_220, %convert_element_type3A : vector<8x1xf32>
    %max3A_222 = arith.constant 1.000000e+00 : f32
    %max3A_223 = vector.broadcast %max3A_222 : f32 to vector<8x1xf32>
    %max3A_224 = arith.maximumf %mul3A_221, %max3A_223 : vector<8x1xf32>
    %le3A = arith.constant 1 : i32
    %le3A_225 = vector.broadcast %le3A : i32 to vector<8x1xi32>
    %le3A_226 = arith.cmpi sle, %broadcast_in_dim3A_90, %le3A_225 : vector<8x1xi32>
    %sub3A_227 = arith.subf %dot_general3A_217, %convert_element_type3A : vector<8x1xf32>
    %div3A_228 = arith.divf %sub3A_227, %max3A_224 : vector<8x1xf32>
    %mul3A_229 = arith.constant 5.000000e-01 : f32
    %mul3A_230 = vector.broadcast %mul3A_229 : f32 to vector<8x1xf32>
    %mul3A_231 = arith.mulf %div3A_228, %mul3A_230 : vector<8x1xf32>
    %jit3A_232 = arith.constant 0.000000e+00 : f32
    %broadcast_in_dim3A_233 = vector.broadcast %jit3A_232 : f32 to vector<8x1xf32>
    %select_n3A_234 = arith.select %le3A_226, %broadcast_in_dim3A_233, %mul3A_231 : vector<8x1xi1>, vector<8x1xf32>
    %get3A_235 = arith.constant 0 : index
    %get3A_236 = arith.constant 0 : index
    %get3A_237 = vector.load %arg2[%get3A_235, %get3A_236] : memref<1x128xf32, #tpu.memory_space<vmem>>, vector<1x1xf32>
    %get3A_238 = vector.extract %get3A_237[0, 0] : f32 from vector<1x1xf32>
    %max3A_239 = arith.constant 1.000000e+00 : f32
    %max3A_240 = arith.maximumf %get3A_238, %max3A_239 : f32
    %reduce_sum3A_241 = vector.shape_cast %select_n3A_234 : vector<8x1xf32> to vector<1x8x1xf32>
    %reduce_sum3A_242 = arith.constant dense<0.000000e+00> : vector<1xf32>
    %reduce_sum3A_243 = vector.multi_reduction <add>, %reduce_sum3A_241, %reduce_sum3A_242 [1, 2] : vector<1x8x1xf32> to vector<1xf32>
    %reduce_sum3A_244 = vector.shape_cast %reduce_sum3A_243 : vector<1xf32> to vector<1x1x1xf32>
    %reduce_sum3A_245 = vector.extract %reduce_sum3A_244[0, 0, 0] : f32 from vector<1x1x1xf32>
    %reduce_sum3A_246 = vector.shape_cast %div3A_109 : vector<8x1xf32> to vector<1x8x1xf32>
    %reduce_sum3A_247 = arith.constant dense<0.000000e+00> : vector<1xf32>
    %reduce_sum3A_248 = vector.multi_reduction <add>, %reduce_sum3A_246, %reduce_sum3A_247 [1, 2] : vector<1x8x1xf32> to vector<1xf32>
    %reduce_sum3A_249 = vector.shape_cast %reduce_sum3A_248 : vector<1xf32> to vector<1x1x1xf32>
    %reduce_sum3A_250 = vector.extract %reduce_sum3A_249[0, 0, 0] : f32 from vector<1x1x1xf32>
    %add3A_251 = arith.addf %reduce_sum3A_245, %reduce_sum3A_250 : f32
    %div3A_252 = arith.divf %add3A_251, %max3A_240 : f32
    %div3A_253 = arith.constant 0x4B080000 : f32
    %div3A_254 = arith.divf %get3A_2, %div3A_253 : f32
    %swap3A = arith.constant 0 : index
    %swap3A_255 = memref.load %arg3[%swap3A] : memref<2xf32, #tpu.memory_space<smem>>
    memref.store %div3A_254, %arg3[%swap3A] : memref<2xf32, #tpu.memory_space<smem>>
    %swap3A_256 = arith.constant 1 : index
    %swap3A_257 = memref.load %arg3[%swap3A_256] : memref<2xf32, #tpu.memory_space<smem>>
    memref.store %div3A_252, %arg3[%swap3A_256] : memref<2xf32, #tpu.memory_space<smem>>
    return
  }
}

module attributes {stable_mosaic.version = 14 : i64} {
  func.func @_tc_mse_body(%arg0: i32, %arg1: memref<1x17x64x256xf32, #tpu.memory_space<vmem>>, %arg2: memref<1x17x64x256xf32, #tpu.memory_space<vmem>>, %arg3: memref<1x17x64x256xf32, #tpu.memory_space<vmem>>, %arg4: memref<1x17x64x256xf32, #tpu.memory_space<vmem>>, %arg5: memref<1x17x64x256xf32, #tpu.memory_space<vmem>>, %arg6: memref<1x17x64x256xf32, #tpu.memory_space<vmem>>, %arg7: memref<1x17x64x256xf32, #tpu.memory_space<vmem>>, %arg8: memref<1x17x64x256xf32, #tpu.memory_space<vmem>>, %arg9: memref<1x64x256xf32, #tpu.memory_space<vmem>>, %arg10: memref<1x64x256xf32, #tpu.memory_space<vmem>>, %arg11: memref<1x64x256xf32, #tpu.memory_space<vmem>>, %arg12: memref<1x64x256xf32, #tpu.memory_space<vmem>>, %arg13: memref<1x128xf32, #tpu.memory_space<vmem>>, %arg14: memref<1xf32, #tpu.memory_space<smem>>) attributes {dimension_semantics = [#tpu.dimension_semantics<arbitrary>], iteration_bounds = array<i64: 8>, scalar_prefetch = 0 : i64, scratch_operands = 1 : i64, tpu.core_type = #tpu.core_type<tc>, window_params = [{transform_indices = @transform_0, window_bounds = array<i64: 1, 17, 64, 256>}, {transform_indices = @transform_1, window_bounds = array<i64: 1, 17, 64, 256>}, {transform_indices = @transform_2, window_bounds = array<i64: 1, 17, 64, 256>}, {transform_indices = @transform_3, window_bounds = array<i64: 1, 17, 64, 256>}, {transform_indices = @transform_4, window_bounds = array<i64: 1, 17, 64, 256>}, {transform_indices = @transform_5, window_bounds = array<i64: 1, 17, 64, 256>}, {transform_indices = @transform_6, window_bounds = array<i64: 1, 17, 64, 256>}, {transform_indices = @transform_7, window_bounds = array<i64: 1, 17, 64, 256>}, {transform_indices = @transform_8, window_bounds = array<i64: 1, 64, 256>}, {transform_indices = @transform_9, window_bounds = array<i64: 1, 64, 256>}, {transform_indices = @transform_10, window_bounds = array<i64: 1, 64, 256>}, {transform_indices = @transform_11, window_bounds = array<i64: 1, 64, 256>}, {pipeline_mode = #tpu.pipeline_mode<synchronous>, transform_indices = @transform_12, window_bounds = array<i64: 1, 128>}]} {
    %get3A = arith.constant 0 : index
    %get3A_0 = arith.constant 0 : index
    %get3A_1 = arith.constant 0 : index
    %get3A_2 = arith.constant 0 : index
    %get3A_3 = vector.load %arg1[%get3A, %get3A_0, %get3A_1, %get3A_2] : memref<1x17x64x256xf32, #tpu.memory_space<vmem>>, vector<1x17x64x256xf32>
    %get3A_4 = vector.shape_cast %get3A_3 : vector<1x17x64x256xf32> to vector<17x64x256xf32>
    %get3A_5 = arith.constant 0 : index
    %get3A_6 = arith.constant 0 : index
    %get3A_7 = arith.constant 0 : index
    %get3A_8 = arith.constant 0 : index
    %get3A_9 = vector.load %arg5[%get3A_5, %get3A_6, %get3A_7, %get3A_8] : memref<1x17x64x256xf32, #tpu.memory_space<vmem>>, vector<1x17x64x256xf32>
    %get3A_10 = vector.shape_cast %get3A_9 : vector<1x17x64x256xf32> to vector<17x64x256xf32>
    %sub3A = arith.subf %get3A_4, %get3A_10 : vector<17x64x256xf32>
    %integer_pow3A = arith.mulf %sub3A, %sub3A : vector<17x64x256xf32>
    %get3A_11 = arith.constant 0 : index
    %get3A_12 = arith.constant 0 : index
    %get3A_13 = arith.constant 0 : index
    %get3A_14 = vector.load %arg9[%get3A_11, %get3A_12, %get3A_13] : memref<1x64x256xf32, #tpu.memory_space<vmem>>, vector<1x64x256xf32>
    %get3A_15 = vector.shape_cast %get3A_14 : vector<1x64x256xf32> to vector<64x256xf32>
    %broadcast_in_dim3A = vector.shape_cast %get3A_15 : vector<64x256xf32> to vector<1x64x256xf32>
    %mul3A = vector.broadcast %broadcast_in_dim3A : vector<1x64x256xf32> to vector<17x64x256xf32>
    %mul3A_16 = arith.mulf %integer_pow3A, %mul3A : vector<17x64x256xf32>
    %reduce_sum3A = vector.shape_cast %mul3A_16 : vector<17x64x256xf32> to vector<1x17x64x256xf32>
    %reduce_sum3A_17 = arith.constant dense<0.000000e+00> : vector<1xf32>
    %reduce_sum3A_18 = vector.multi_reduction <add>, %reduce_sum3A, %reduce_sum3A_17 [1, 2, 3] : vector<1x17x64x256xf32> to vector<1xf32>
    %reduce_sum3A_19 = vector.shape_cast %reduce_sum3A_18 : vector<1xf32> to vector<1x1x1x1xf32>
    %reduce_sum3A_20 = vector.extract %reduce_sum3A_19[0, 0, 0, 0] : f32 from vector<1x1x1x1xf32>
    %get3A_21 = arith.constant 0 : index
    %get3A_22 = arith.constant 0 : index
    %get3A_23 = arith.constant 0 : index
    %get3A_24 = arith.constant 0 : index
    %get3A_25 = vector.load %arg2[%get3A_21, %get3A_22, %get3A_23, %get3A_24] : memref<1x17x64x256xf32, #tpu.memory_space<vmem>>, vector<1x17x64x256xf32>
    %get3A_26 = vector.shape_cast %get3A_25 : vector<1x17x64x256xf32> to vector<17x64x256xf32>
    %get3A_27 = arith.constant 0 : index
    %get3A_28 = arith.constant 0 : index
    %get3A_29 = arith.constant 0 : index
    %get3A_30 = arith.constant 0 : index
    %get3A_31 = vector.load %arg6[%get3A_27, %get3A_28, %get3A_29, %get3A_30] : memref<1x17x64x256xf32, #tpu.memory_space<vmem>>, vector<1x17x64x256xf32>
    %get3A_32 = vector.shape_cast %get3A_31 : vector<1x17x64x256xf32> to vector<17x64x256xf32>
    %sub3A_33 = arith.subf %get3A_26, %get3A_32 : vector<17x64x256xf32>
    %integer_pow3A_34 = arith.mulf %sub3A_33, %sub3A_33 : vector<17x64x256xf32>
    %get3A_35 = arith.constant 0 : index
    %get3A_36 = arith.constant 0 : index
    %get3A_37 = arith.constant 0 : index
    %get3A_38 = vector.load %arg10[%get3A_35, %get3A_36, %get3A_37] : memref<1x64x256xf32, #tpu.memory_space<vmem>>, vector<1x64x256xf32>
    %get3A_39 = vector.shape_cast %get3A_38 : vector<1x64x256xf32> to vector<64x256xf32>
    %broadcast_in_dim3A_40 = vector.shape_cast %get3A_39 : vector<64x256xf32> to vector<1x64x256xf32>
    %mul3A_41 = vector.broadcast %broadcast_in_dim3A_40 : vector<1x64x256xf32> to vector<17x64x256xf32>
    %mul3A_42 = arith.mulf %integer_pow3A_34, %mul3A_41 : vector<17x64x256xf32>
    %reduce_sum3A_43 = vector.shape_cast %mul3A_42 : vector<17x64x256xf32> to vector<1x17x64x256xf32>
    %reduce_sum3A_44 = arith.constant dense<0.000000e+00> : vector<1xf32>
    %reduce_sum3A_45 = vector.multi_reduction <add>, %reduce_sum3A_43, %reduce_sum3A_44 [1, 2, 3] : vector<1x17x64x256xf32> to vector<1xf32>
    %reduce_sum3A_46 = vector.shape_cast %reduce_sum3A_45 : vector<1xf32> to vector<1x1x1x1xf32>
    %reduce_sum3A_47 = vector.extract %reduce_sum3A_46[0, 0, 0, 0] : f32 from vector<1x1x1x1xf32>
    %add3A = arith.addf %reduce_sum3A_20, %reduce_sum3A_47 : f32
    %get3A_48 = arith.constant 0 : index
    %get3A_49 = arith.constant 0 : index
    %get3A_50 = arith.constant 0 : index
    %get3A_51 = arith.constant 0 : index
    %get3A_52 = vector.load %arg3[%get3A_48, %get3A_49, %get3A_50, %get3A_51] : memref<1x17x64x256xf32, #tpu.memory_space<vmem>>, vector<1x17x64x256xf32>
    %get3A_53 = vector.shape_cast %get3A_52 : vector<1x17x64x256xf32> to vector<17x64x256xf32>
    %get3A_54 = arith.constant 0 : index
    %get3A_55 = arith.constant 0 : index
    %get3A_56 = arith.constant 0 : index
    %get3A_57 = arith.constant 0 : index
    %get3A_58 = vector.load %arg7[%get3A_54, %get3A_55, %get3A_56, %get3A_57] : memref<1x17x64x256xf32, #tpu.memory_space<vmem>>, vector<1x17x64x256xf32>
    %get3A_59 = vector.shape_cast %get3A_58 : vector<1x17x64x256xf32> to vector<17x64x256xf32>
    %sub3A_60 = arith.subf %get3A_53, %get3A_59 : vector<17x64x256xf32>
    %integer_pow3A_61 = arith.mulf %sub3A_60, %sub3A_60 : vector<17x64x256xf32>
    %get3A_62 = arith.constant 0 : index
    %get3A_63 = arith.constant 0 : index
    %get3A_64 = arith.constant 0 : index
    %get3A_65 = vector.load %arg11[%get3A_62, %get3A_63, %get3A_64] : memref<1x64x256xf32, #tpu.memory_space<vmem>>, vector<1x64x256xf32>
    %get3A_66 = vector.shape_cast %get3A_65 : vector<1x64x256xf32> to vector<64x256xf32>
    %broadcast_in_dim3A_67 = vector.shape_cast %get3A_66 : vector<64x256xf32> to vector<1x64x256xf32>
    %mul3A_68 = vector.broadcast %broadcast_in_dim3A_67 : vector<1x64x256xf32> to vector<17x64x256xf32>
    %mul3A_69 = arith.mulf %integer_pow3A_61, %mul3A_68 : vector<17x64x256xf32>
    %reduce_sum3A_70 = vector.shape_cast %mul3A_69 : vector<17x64x256xf32> to vector<1x17x64x256xf32>
    %reduce_sum3A_71 = arith.constant dense<0.000000e+00> : vector<1xf32>
    %reduce_sum3A_72 = vector.multi_reduction <add>, %reduce_sum3A_70, %reduce_sum3A_71 [1, 2, 3] : vector<1x17x64x256xf32> to vector<1xf32>
    %reduce_sum3A_73 = vector.shape_cast %reduce_sum3A_72 : vector<1xf32> to vector<1x1x1x1xf32>
    %reduce_sum3A_74 = vector.extract %reduce_sum3A_73[0, 0, 0, 0] : f32 from vector<1x1x1x1xf32>
    %add3A_75 = arith.addf %add3A, %reduce_sum3A_74 : f32
    %get3A_76 = arith.constant 0 : index
    %get3A_77 = arith.constant 0 : index
    %get3A_78 = arith.constant 0 : index
    %get3A_79 = arith.constant 0 : index
    %get3A_80 = vector.load %arg4[%get3A_76, %get3A_77, %get3A_78, %get3A_79] : memref<1x17x64x256xf32, #tpu.memory_space<vmem>>, vector<1x17x64x256xf32>
    %get3A_81 = vector.shape_cast %get3A_80 : vector<1x17x64x256xf32> to vector<17x64x256xf32>
    %get3A_82 = arith.constant 0 : index
    %get3A_83 = arith.constant 0 : index
    %get3A_84 = arith.constant 0 : index
    %get3A_85 = arith.constant 0 : index
    %get3A_86 = vector.load %arg8[%get3A_82, %get3A_83, %get3A_84, %get3A_85] : memref<1x17x64x256xf32, #tpu.memory_space<vmem>>, vector<1x17x64x256xf32>
    %get3A_87 = vector.shape_cast %get3A_86 : vector<1x17x64x256xf32> to vector<17x64x256xf32>
    %sub3A_88 = arith.subf %get3A_81, %get3A_87 : vector<17x64x256xf32>
    %integer_pow3A_89 = arith.mulf %sub3A_88, %sub3A_88 : vector<17x64x256xf32>
    %get3A_90 = arith.constant 0 : index
    %get3A_91 = arith.constant 0 : index
    %get3A_92 = arith.constant 0 : index
    %get3A_93 = vector.load %arg12[%get3A_90, %get3A_91, %get3A_92] : memref<1x64x256xf32, #tpu.memory_space<vmem>>, vector<1x64x256xf32>
    %get3A_94 = vector.shape_cast %get3A_93 : vector<1x64x256xf32> to vector<64x256xf32>
    %broadcast_in_dim3A_95 = vector.shape_cast %get3A_94 : vector<64x256xf32> to vector<1x64x256xf32>
    %mul3A_96 = vector.broadcast %broadcast_in_dim3A_95 : vector<1x64x256xf32> to vector<17x64x256xf32>
    %mul3A_97 = arith.mulf %integer_pow3A_89, %mul3A_96 : vector<17x64x256xf32>
    %reduce_sum3A_98 = vector.shape_cast %mul3A_97 : vector<17x64x256xf32> to vector<1x17x64x256xf32>
    %reduce_sum3A_99 = arith.constant dense<0.000000e+00> : vector<1xf32>
    %reduce_sum3A_100 = vector.multi_reduction <add>, %reduce_sum3A_98, %reduce_sum3A_99 [1, 2, 3] : vector<1x17x64x256xf32> to vector<1xf32>
    %reduce_sum3A_101 = vector.shape_cast %reduce_sum3A_100 : vector<1xf32> to vector<1x1x1x1xf32>
    %reduce_sum3A_102 = vector.extract %reduce_sum3A_101[0, 0, 0, 0] : f32 from vector<1x1x1x1xf32>
    %add3A_103 = arith.addf %add3A_75, %reduce_sum3A_102 : f32
    %eq3A = arith.constant 0 : i32
    %eq3A_104 = arith.cmpi eq, %arg0, %eq3A : i32
    %get3A_105 = arith.constant 0 : index
    %get3A_106 = memref.load %arg14[%get3A_105] : memref<1xf32, #tpu.memory_space<smem>>
    %jit3A = arith.constant 0.000000e+00 : f32
    %select_n3A = arith.select %eq3A_104, %jit3A, %get3A_106 : f32
    %add3A_107 = arith.addf %select_n3A, %add3A_103 : f32
    %swap3A = arith.constant 0 : index
    %swap3A_108 = memref.load %arg14[%swap3A] : memref<1xf32, #tpu.memory_space<smem>>
    memref.store %add3A_107, %arg14[%swap3A] : memref<1xf32, #tpu.memory_space<smem>>
    %eq3A_109 = arith.constant 7 : i32
    %eq3A_110 = arith.cmpi eq, %arg0, %eq3A_109 : i32
    %convert_element_type3A = arith.extui %eq3A_110 : i1 to i32
    %cond3A = arith.constant 0 : i32
    %cond3A_111 = arith.cmpi ne, %convert_element_type3A, %cond3A : i32
    scf.if %cond3A_111 {
      %iota3A = tpu.iota {dimensions = array<i32: 1>} : vector<1x128xi32>
      %eq3A_112 = arith.constant 0 : i32
      %eq3A_113 = vector.broadcast %eq3A_112 : i32 to vector<1x128xi32>
      %eq3A_114 = arith.cmpi eq, %iota3A, %eq3A_113 : vector<1x128xi32>
      %jit3A_115 = arith.constant 0.000000e+00 : f32
      %broadcast_in_dim3A_116 = vector.broadcast %add3A_107 : f32 to vector<1x128xf32>
      %broadcast_in_dim3A_117 = vector.broadcast %jit3A_115 : f32 to vector<1x128xf32>
      %select_n3A_118 = arith.select %eq3A_114, %broadcast_in_dim3A_116, %broadcast_in_dim3A_117 : vector<1x128xi1>, vector<1x128xf32>
      %swap3A_119 = arith.constant 0 : index
      %swap3A_120 = arith.constant 0 : index
      %swap3A_121 = vector.load %arg13[%swap3A_119, %swap3A_120] : memref<1x128xf32, #tpu.memory_space<vmem>>, vector<1x128xf32>
      tpu.vector_store %arg13[%swap3A_119, %swap3A_120], %select_n3A_118 {strides = array<i32>} : memref<1x128xf32, #tpu.memory_space<vmem>>, vector<1x128xf32>,
    } else {
    }
    return
  }
  func.func @transform_0(%arg0: i32) -> (i32, i32, i32, i32) {
    %c0_i32 = arith.constant 0 : i32
    %c0_i32_0 = arith.constant 0 : i32
    %c0_i32_1 = arith.constant 0 : i32
    %c0_i32_2 = arith.constant 0 : i32
    return %arg0, %c0_i32, %c0_i32_0, %c0_i32_1 : i32, i32, i32, i32
  }
  func.func @transform_1(%arg0: i32) -> (i32, i32, i32, i32) {
    %c0_i32 = arith.constant 0 : i32
    %c1_i32 = arith.constant 1 : i32
    %c0_i32_0 = arith.constant 0 : i32
    %c0_i32_1 = arith.constant 0 : i32
    return %arg0, %c0_i32, %c1_i32, %c0_i32_0 : i32, i32, i32, i32
  }
  func.func @transform_2(%arg0: i32) -> (i32, i32, i32, i32) {
    %c0_i32 = arith.constant 0 : i32
    %c2_i32 = arith.constant 2 : i32
    %c0_i32_0 = arith.constant 0 : i32
    %c0_i32_1 = arith.constant 0 : i32
    return %arg0, %c0_i32, %c2_i32, %c0_i32_0 : i32, i32, i32, i32
  }
  func.func @transform_3(%arg0: i32) -> (i32, i32, i32, i32) {
    %c0_i32 = arith.constant 0 : i32
    %c3_i32 = arith.constant 3 : i32
    %c0_i32_0 = arith.constant 0 : i32
    %c0_i32_1 = arith.constant 0 : i32
    return %arg0, %c0_i32, %c3_i32, %c0_i32_0 : i32, i32, i32, i32
  }
  func.func @transform_4(%arg0: i32) -> (i32, i32, i32, i32) {
    %c0_i32 = arith.constant 0 : i32
    %c0_i32_0 = arith.constant 0 : i32
    %c0_i32_1 = arith.constant 0 : i32
    %c0_i32_2 = arith.constant 0 : i32
    return %arg0, %c0_i32, %c0_i32_0, %c0_i32_1 : i32, i32, i32, i32
  }
  func.func @transform_5(%arg0: i32) -> (i32, i32, i32, i32) {
    %c0_i32 = arith.constant 0 : i32
    %c1_i32 = arith.constant 1 : i32
    %c0_i32_0 = arith.constant 0 : i32
    %c0_i32_1 = arith.constant 0 : i32
    return %arg0, %c0_i32, %c1_i32, %c0_i32_0 : i32, i32, i32, i32
  }
  func.func @transform_6(%arg0: i32) -> (i32, i32, i32, i32) {
    %c0_i32 = arith.constant 0 : i32
    %c2_i32 = arith.constant 2 : i32
    %c0_i32_0 = arith.constant 0 : i32
    %c0_i32_1 = arith.constant 0 : i32
    return %arg0, %c0_i32, %c2_i32, %c0_i32_0 : i32, i32, i32, i32
  }
  func.func @transform_7(%arg0: i32) -> (i32, i32, i32, i32) {
    %c0_i32 = arith.constant 0 : i32
    %c3_i32 = arith.constant 3 : i32
    %c0_i32_0 = arith.constant 0 : i32
    %c0_i32_1 = arith.constant 0 : i32
    return %arg0, %c0_i32, %c3_i32, %c0_i32_0 : i32, i32, i32, i32
  }
  func.func @transform_8(%arg0: i32) -> (i32, i32, i32) {
    %c0_i32 = arith.constant 0 : i32
    %c0_i32_0 = arith.constant 0 : i32
    %c0_i32_1 = arith.constant 0 : i32
    return %arg0, %c0_i32, %c0_i32_0 : i32, i32, i32
  }
  func.func @transform_9(%arg0: i32) -> (i32, i32, i32) {
    %c1_i32 = arith.constant 1 : i32
    %c0_i32 = arith.constant 0 : i32
    %c0_i32_0 = arith.constant 0 : i32
    return %arg0, %c1_i32, %c0_i32 : i32, i32, i32
  }
  func.func @transform_10(%arg0: i32) -> (i32, i32, i32) {
    %c2_i32 = arith.constant 2 : i32
    %c0_i32 = arith.constant 0 : i32
    %c0_i32_0 = arith.constant 0 : i32
    return %arg0, %c2_i32, %c0_i32 : i32, i32, i32
  }
  func.func @transform_11(%arg0: i32) -> (i32, i32, i32) {
    %c3_i32 = arith.constant 3 : i32
    %c0_i32 = arith.constant 0 : i32
    %c0_i32_0 = arith.constant 0 : i32
    return %arg0, %c3_i32, %c0_i32 : i32, i32, i32
  }
  func.func @transform_12(%arg0: i32) -> (i32, i32) {
    %c0_i32 = arith.constant 0 : i32
    %c0_i32_0 = arith.constant 0 : i32
    %c0_i32_1 = arith.constant 0 : i32
    return %c0_i32, %c0_i32_0 : i32, i32
  }
}

</mosaic_0001>

<sc_bundles>
// kernel: kernel.5.cloned.1.call-start
scs
__scs_entry_jumppad:
0x0: {  	(pc) =	sbr.rel $0x88, $3  }
0x1: {  	(tag) =	ssettag $0x0;
	lr =	simm.s32 $0x1  }
0x2: {  	[smem:$0x3F9A] =	sst lr;
	_ =	strace $0xD0000000  }
0x3: {  	_ = 	snop  }
0x4: {  	_ = 	snop  }
0x5: {  	_ = 	snop  }
0x6: {  	_ = 	snop  }
0x7: {  	_ = 	snop  }
__scs_overlays_trampoline_lowered:
0x8: {  	[smem:$0x3FA9] =	sst s0  }
0x9: {  	[smem:$0x3FAA] =	sst s1  }
0xa: {  	[smem:$0x3FAB] =	sst s2  }
0xb: {  	[smem:$0x3FAC] =	sst s3  }
0xc: {  	[smem:$0x3FAD] =	sst s4  }
0xd: {  	[smem:$0x3FAE] =	sst s5  }
0xe: {  	[smem:$0x3FAF] =	sst s6  }
0xf: {  	[smem:$0x3FB0] =	sst s7  }
0x10: {  	[smem:$0x3FB1] =	sst s8  }
0x11: {  	[smem:$0x3FB2] =	sst s9;
	s0 =	simm.s32 @!p0 $0x0  }
0x12: {  	s1 =	sld [smem:$0x3F98];
	s0 =	simm.s32 @p0 $0x1  }
0x13: {  	[smem:$0x3FB3] =	sst s0;
	s0 =	simm.s32 @!p1 $0x0  }
0x14: {  	s2 =	sld [smem:$0x3F97];
	s0 =	simm.s32 @p1 $0x1  }
0x15: {  	[smem:$0x3FB4] =	sst s0;
	s0 =	simm.s32 @!p2 $0x0  }
0x16: {  	s3 =	sld [smem:$0x3FDB];
	s0 =	simm.s32 @p2 $0x1  }
0x17: {  	s4 =	simm.s32 $0x1BF5;
	[smem:$0x3FB6] =	sst s0  }
0x18: {  	s0 =	sld [smem:$0x3F99];
	_ =	swait.ge [sflag:s4], $0x0  }
0x19: {  	s7 =	sld [smem:$0x3F9A]  }
0x1a: {  	s8 =	sadd.s32 $0xFFFFE003, lr  }
0x1b: {  	s9 =	sadd.s32 $0xFFFFFEF7, lr;
	s5 =	simm.s32 $0xFFFFFFFF;
	p2 =	slt.u32 s8, $0xFFFFF086  }
0x1c: {  	p1 =	slt.u32 s9, $0xF7A;
	s5 =	simm.s32 @!p2 $0x0  }
0x1d: {  	s5 =	simm.s32 @p1 $0x1;
	p0 =	seq.s32 s7, s2  }
0x1e: {  	s7 =	smul.u32 @!p0 $0xF7A, s2;
	p2 =	seq.s32 @!p0 s5, $0x0  }
0x1f: {  	s9 =	smul.u32 $0xF7A, s1;
	s8 =	simm.s32 @!p0 $0x1BF5;
	p2 =	por !p2, p0  }
0x20: {  	[sflag:s8] =	ssyncset.s32 @!p0 $0xFFFFF086;
	s6 =	sadd.s32 @!p0 s3, s7;
	s7 =	simm.s32 @!p0 $0x108  }
0x21: {  	s3 =	sadd.s32 s3, s9;
	s6 =	sadd.s32 @!p0 $0x88, s6;
	s7 =	simm.s32 @p2 $0x1082  }
0x22: {  	[simem:s7], [sflag:s8] =	dma.local @!p0 [hbm:s6], $0xF7A  }
0x23: {  	s9 =	sor.u32 $0xD0000000, s2;
	s6 =	simm.s32 $0x108;
	_ =	swait.ge @!p0 [sflag:s8], $0x0  }
0x24: {  	s3 =	sadd.s32 $0x88, s3;
	s6 =	simm.s32 @!p1 $0x1082;
	[sflag:s4] =	ssyncset.s32 $0xFFFFF086  }
0x25: {  	[simem:s6], [sflag:s4] =	dma.local [hbm:s3], $0xF7A  }
0x26: {  	[smem:$0x3F9A] =	sst s1;
	(tag) =	ssettag s2;
	_ =	strace s9  }
0x27: {  	s1 =	sld [smem:$0x3FAA]  }
0x28: {  	s2 =	sld [smem:$0x3FAB]  }
0x29: {  	s4 =	sld [smem:$0x3FAD]  }
0x2a: {  	p0 =	seq.s32 s5, $0x0;
	s5 =	sld [smem:$0x3FAE]  }
0x2b: {  	s6 =	sld [smem:$0x3FAF]  }
0x2c: {  	s7 =	sld [smem:$0x3FB0]  }
0x2d: {  	s3 =	simm.s32 $0x108;
	s8 =	sld [smem:$0x3FB1]  }
0x2e: {  	s3 =	simm.s32 @!p0 $0x1082;
	s9 =	sld [smem:$0x3FB2]  }
0x2f: {  	lr =	sadd.s32 s0, s3;
	s0 =	sld [smem:$0x3FA9]  }
0x30: {  	s3 =	sld [smem:$0x3FAC]  }
0x31: {  	[smem:$0x3FB5] =	sst s10  }
0x32: {  	s10 =	sld [smem:$0x3FB3];
	_ =	sdelay $0x3  }
0x33: {  	p0 =	seq.s32 s10, $0x1;
	s10 =	sld [smem:$0x3FB5];
	_ =	sdelay $0x3  }
0x34: {  	[smem:$0x3FB5] =	sst s10  }
0x35: {  	s10 =	sld [smem:$0x3FB4];
	_ =	sdelay $0x3  }
0x36: {  	p1 =	seq.s32 s10, $0x1;
	s10 =	sld [smem:$0x3FB5];
	_ =	sdelay $0x3  }
0x37: {  	[smem:$0x3FB5] =	sst s10  }
0x38: {  	s10 =	sld [smem:$0x3FB6]  }
0x39: {  	_ = 	snop;
	(pc) =	sbr.ind lr, $3  }
0x3a: {  	_ = 	snop  }
0x3b: {  	_ = 	snop  }
0x3c: {  	p2 =	seq.s32 s10, $0x1;
	s10 =	sld [smem:$0x3FB5]  }
0x3d: {  	_ =	shalt  }
0x3e: {  	_ =	shalt  }
0x3f: {  	_ =	shalt  }
0x40: {  	_ =	shalt  }
0x41: {  	_ =	shalt  }
0x42: {  	_ =	shalt  }
0x43: {  	_ =	shalt  }
0x44: {  	_ =	shalt  }
0x45: {  	_ =	shalt  }
0x46: {  	_ =	shalt  }
0x47: {  	_ =	shalt  }
0x48: {  	_ =	shalt  }
0x49: {  	_ =	shalt  }
0x4a: {  	_ =	shalt  }
0x4b: {  	_ =	shalt  }
0x4c: {  	_ =	shalt  }
0x4d: {  	_ =	shalt  }
0x4e: {  	_ =	shalt  }
0x4f: {  	_ =	shalt  }
0x50: {  	_ =	shalt  }
0x51: {  	_ =	shalt  }
0x52: {  	_ =	shalt  }
0x53: {  	_ =	shalt  }
0x54: {  	_ =	shalt  }
0x55: {  	_ =	shalt  }
0x56: {  	_ =	shalt  }
0x57: {  	_ =	shalt  }
0x58: {  	_ =	shalt  }
0x59: {  	_ =	shalt  }
0x5a: {  	_ =	shalt  }
0x5b: {  	_ =	shalt  }
0x5c: {  	_ =	shalt  }
0x5d: {  	_ =	shalt  }
0x5e: {  	_ =	shalt  }
0x5f: {  	_ =	shalt  }
0x60: {  	_ =	shalt  }
0x61: {  	_ =	shalt  }
0x62: {  	_ =	shalt  }
0x63: {  	_ =	shalt  }
0x64: {  	_ =	shalt  }
0x65: {  	_ =	shalt  }
0x66: {  	_ =	shalt  }
0x67: {  	_ =	shalt  }
0x68: {  	_ =	shalt  }
0x69: {  	_ =	shalt  }
0x6a: {  	_ =	shalt  }
0x6b: {  	_ =	shalt  }
0x6c: {  	_ =	shalt  }
0x6d: {  	_ =	shalt  }
0x6e: {  	_ =	shalt  }
0x6f: {  	_ =	shalt  }
0x70: {  	_ =	shalt  }
0x71: {  	_ =	shalt  }
0x72: {  	_ =	shalt  }
0x73: {  	_ =	shalt  }
0x74: {  	_ =	shalt  }
0x75: {  	_ =	shalt  }
0x76: {  	_ =	shalt  }
0x77: {  	_ =	shalt  }
0x78: {  	_ =	shalt  }
0x79: {  	_ =	shalt  }
0x7a: {  	_ =	shalt  }
0x7b: {  	_ =	shalt  }
0x7c: {  	_ =	shalt  }
0x7d: {  	_ =	shalt  }
0x7e: {  	_ =	shalt  }
0x7f: {  	_ =	shalt  }
0x80: {  	_ =	shalt  }
0x81: {  	_ =	shalt  }
0x82: {  	_ =	shalt  }
0x83: {  	_ =	shalt  }
0x84: {  	_ =	shalt  }
0x85: {  	_ =	shalt  }
0x86: {  	_ =	shalt  }
0x87: {  	_ =	shalt  }
.Lfunc_end0:
.L_simem_size_0:
called_computation_lowered:
.L_overlay_start_0:
0x88: {  	s2 =	sld [smem:$0x3FD9]  }
0x89: {  	s3 =	sld [smem:$0x3FFE];
	_ =	sdelay $0x1  }
0x8a: {  	s1 =	srdreg.scid  }
0x8b: {  	s0 =	sand.u32 $0x1, s1  }
0x8c: {  	s17 =	sshll.u32 s0, $0xA;
	s2 =	sadd.s32 s3, s2  }
0x8d: {  	s2 =	sadd.s32 s2, s17  }
0x8e: {  	[smem:$0x3FC1] =	sst s2  }
0x8f: {  	_ = 	snop  }
0x90: {  	s2 =	sld [smem:$0x3FC6]  }
0x91: {  	s18 =	sld [smem:$0x3FC5]  }
0x92: {  	s4 =	sld [smem:$0x3FC4]  }
0x93: {  	s5 =	sld [smem:$0x3FC3]  }
0x94: {  	s6 =	sld [smem:$0x3FD0];
	(tm) =	ssettm $0x1  }
0x95: {  	s7 =	sld [smem:$0x3FFB];
	_ =	sdelay $0x3  }
0x96: {  	_ =	strace s7  }
0x97: {  	s7 =	sld [smem:$0x3FFC];
	_ =	sdelay $0x3  }
0x98: {  	_ =	strace s7  }
0x99: {  	s7 =	sld [smem:$0x3FFD];
	_ =	sdelay $0x3  }
0x9a: {  	_ =	strace s7  }
0x9b: {  	_ =	strace $0x8FFFFFFF  }
0x9c: {  	s19 =	sld [smem:$0x3FDB];
	_ =	sdelay $0x1  }
0x9d: {  	s8 =	simm.s32 $_scs_section_size  }
0x9e: {  	s9 =	simm.s32 $_size__tile_overlayer_lowered;
	s10 =	simm.s32 $_tile_overlayer_lowered  }
0x9f: {  	s22 =	simm.s32 $0x1BFF;
	s21 =	sshll.u32 s10, $0x1;
	s7 =	sadd.s32 s8, s19  }
0xa0: {  	s11 =	simm.s32 $0x0;
	s20 =	sshll.u32 s9, $0x1;
	s9 =	sadd.s32 s21, s7  }
0xa1: {  	[timem:s11], [sflag:s22] =	dma.local [hbm:s9], s20  }
0xa2: {  	_ =	swait.ge [sflag:s22], s20  }
0xa3: {  	s8 =	ssub.s32 $0x0, s20;
	[sflag:s22] =	ssyncset.done $0x0  }
0xa4: {  	[sflag:s22] =	ssyncadd.s32 s8;
	_ =	sdelay $0x1  }
0xa5: {  	s23 =	simm.s32 $0x1B8B  }
0xa6: {  	_ =	swait.ge [sflag:s23], $0x1  }
0xa7: {  	[sflag:s23] =	ssyncset.done $0x0  }
0xa8: {  	s25 =	simm.s32 $0x1B8E;
	s24 =	sld [smem:$0x3FFE];
	[sflag:s23] =	ssyncadd.s32 $0xFFFFFFFF  }
0xa9: {  	s26 =	simm.s32 $execute0_lowered;
	[smem:$0x3FD2] =	sst s25  }
0xaa: {  	s9 =	sshll.u32 s26, $0x1;
	_ =	strace $0x80000046;
	[dreg:$0x1] =	wrdreg $0xFFFFFFFF  }
0xab: {  	s28 =	simm.s32 $_size_execute0_lowered;
	s7 =	sadd.s32 s7, s9;
	[dreg:$0x0] =	wrdreg $0x0  }
0xac: {  	s9 =	sshll.u32 s28, $0x1;
	[dreg:$0x2] =	wrdreg s7  }
0xad: {  	[dreg:$0x3] =	wrdreg s9  }
0xae: {  	[dreg:$0x4] =	wrdreg $0xC0  }
0xaf: {  	_ =	task [dreg:s11], $0x5FFFF  }
0xb0: {  	[dreg:$0x1] =	wrdreg $0xFFFFFFFF  }
0xb1: {  	[dreg:$0x0] =	wrdreg $0x60  }
0xb2: {  	[dreg:$0x2] =	wrdreg s2  }
0xb3: {  	[dreg:$0x3] =	wrdreg s18  }
0xb4: {  	[dreg:$0x4] =	wrdreg s4  }
0xb5: {  	[dreg:$0x5] =	wrdreg s5  }
0xb6: {  	[dreg:$0x6] =	wrdreg s24  }
0xb7: {  	[dreg:$0x7] =	wrdreg s6  }
0xb8: {  	[dreg:$0x8] =	wrdreg $0x9  }
0xb9: {  	_ =	task.clear_ibuf [dreg:s11], $0x9FFFF;
	_ =	strace $0x90000046  }
0xba: {  	s29 =	simm.s32 $0x9;
	_ =	strace $0x80000048  }
0xbb: {  	_ =	swait.ge [sflag:s29], $0x1  }
0xbc: {  	[sflag:s29] =	ssyncadd.s32 $0xFFFFFFFF  }
0xbd: {  	_ =	strace $0x90000048  }
0xbe: {  	_ =	sfence  }
0xbf: {  	s30 =	sld [smem:$0x0];
	_ =	sdelay $0x2  }
0xc0: {  	s31 =	sshll.u32 s1, $0xD;
	s1 =	sshrl.u32 s1, $0x2  }
0xc1: {  	s3 =	sand.u32 $0x4000, s31;
	s1 =	sadd.s32 s1, s30  }
0xc2: {  	s0 =	sor.u32 s3, s0;
	s1 =	sshll.u32 s1, $0x11  }
0xc3: {  	s0 =	sor.u32 s1, s0  }
0xc4: {  	s0 =	sadd.s32 $0x8F2B, s0  }
0xc5: {  	[sflag:s0] =	ssyncadd.remote.s32 $0x1  }
0xc6: {  	_ =	sfence.sel $0xFFFF  }
0xc7: {  	[dreg:$0x0] =	wrdreg $0xFFFFFFFF;
	(pc) =	sbr.abs _section_cstart, $3  }
0xc8: {  	[dreg:$0x1] =	wrdreg $0xFFFFFFFF  }
0xc9: {  	_ =	task.clear_ibuf [dreg:s11], $0x2FFFF;
	_ =	strace $0x9FFFFFFF  }
0xca: {  	(tm) =	ssettm $0x7FFFFFFF  }
0xcb: {  	_ =	shalt  }
tec
execute0_lowered:
.L_overlay_start_1:
0x0: {  	(tag) =	ssettag $0x1  }
0x1: {  	s4 =	rddreg [dreg:$0x0]  }
0x2: {  	s5 =	rddreg [dreg:$0x1]  }
0x3: {  	s6 =	rddreg [dreg:$0x2]  }
0x4: {  	s7 =	rddreg [dreg:$0x3]  }
0x5: {  	s1 =	srdreg.scid;
	s9 =	rddreg [dreg:$0x4]  }
0x6: {  	s0 =	stileid.u32;
	s2 =	rddreg [dreg:$0x5]  }
0x7: {  	s3 =	simm.s32 $0x0;
	s12 =	simm.s32 $0x1000;
	s13 =	simm.s32 $0x1800  }
0x8: {  	s14 =	simm.s32 $0x2000;
	s15 =	simm.s32 $0x3000;
	s16 =	simm.s32 $0x4000  }
0x9: {  	s18 =	simm.s32 $0x400;
	s19 =	simm.s32 $0x5000;
	s20 =	simm.s32 $0x0  }
0xa: {  	s8 =	sand.u32 $0x1, s1;
	s26 =	sshll.u32 s0, $0x1;
	s1 =	rddreg [dreg:$0x6]  }
0xb: {  	s28 =	sshrl.u32 s0, $0x2;
	[smem:$0x7FF] =	sst s3;
	s17 =	sor.u32 s8, s26  }
0xc: {  	s10 =	smul.u32 $0x1800, s28;
	s8 =	ssub.s32 $0x2, s8;
	_ =	strace $0x80000047  }
0xd: {  	s11 =	sshll.u32 s17, $0x7;
	s29 =	sshrl.u32 s8, $0x1;
	s31 =	sshll.u32 s17, $0x8  }
0xe: {  	p0 =	sne.s32 s17, $0x1F;
	s17 =	simm.s32 $0x80;
	s11 =	sand.u32 $0x380, s11  }
0xf: {  	s30 =	ssub.s32 s8, s29;
	s4 =	sadd.s32 s4, s31;
	s10 =	sor.u32 s10, s11  }
0x10: {  	s5 =	sadd.s32 s5, s31;
	s6 =	sadd.s32 s6, s31;
	s10 =	sshrl.u32 s10, $0x3  }
0x11: {  	v1 =	vlaneseq.u32;
	s7 =	sadd.s32 s7, s31;
	s11 =	simm.s32 $0x800;
	s9 =	sadd.s32 s10, s9  }
0x12: {  	v0 =	vimm.f32 $0.0e+00;
	v1 =	vmul.u32 $0x100, v1;
	vm0 =	vcmask @!p0 $0x300;
	s10 =	simm.s32 $0x1;
	s8 =	sadd.s32 $0xE00, s9;
	s9 =	smax.u32 s30, $0x1  }
.LBB2_1:
0x13: {  	[tilespmem:s3], [sflag:$0x1] =	stream.linear.gather [hbm4b:s4+s3], $0x800, $0x38;
	[tilespmem:$0x5300] =	vst v63  }
0x14: {  	_ =	swait.ge [sflag:s10], $0x800  }
0x15: {  	[sflag:s10] =	ssyncset.done $0x0  }
0x16: {  	[sflag:s10] =	ssyncadd.s32 $0xFFFFF800  }
0x17: {  	[tilespmem:s11], [sflag:$0x1] =	stream.linear.gather [hbm4b:s5+s3], $0x800, $0x38;
	[tilespmem:$0x5300] =	vst v63  }
0x18: {  	_ =	swait.ge [sflag:s10], $0x800  }
0x19: {  	[sflag:s10] =	ssyncset.done $0x0  }
0x1a: {  	[sflag:s10] =	ssyncadd.s32 $0xFFFFF800  }
0x1b: {  	[tilespmem:s12], [sflag:$0x1] =	stream.linear.gather [hbm4b:s6+s3], $0x800, $0x38;
	[tilespmem:$0x5300] =	vst v63  }
0x1c: {  	_ =	swait.ge [sflag:s10], $0x800  }
0x1d: {  	[sflag:s10] =	ssyncset.done $0x0  }
0x1e: {  	[sflag:s10] =	ssyncadd.s32 $0xFFFFF800  }
0x1f: {  	[tilespmem:s13], [sflag:$0x1] =	stream.linear.gather [hbm4b:s7+s3], $0x800, $0x38;
	[tilespmem:$0x5300] =	vst v63  }
0x20: {  	_ =	swait.ge [sflag:s10], $0x800  }
0x21: {  	[sflag:s10] =	ssyncset.done $0x0  }
0x22: {  	s21 =	simm.s32 $0x40;
	s22 =	simm.s32 $0x0;
	[sflag:s10] =	ssyncadd.s32 $0xFFFFF800  }
.LBB2_2:
0x23: {  	p1 =	sne.s32 s21, $0x3FC0;
	[tilespmem:s22+$0x4000] =	vst v0;
	s23 =	smov.u32 s21;
	s21 =	sadd.s32 $0x40, s21  }
.Ltmp0:
0x24: {  	[tilespmem:s22+$0x2000] =	vst v0;
	(pc) =	sbr.rel @p1 .LBB2_2-.Ltmp0, $2  }
0x25: {  	[tilespmem:s22+$0x3000] =	vst v0;
	_ =	sdelay $0x2  }
0x26: {  	s22 =	sshra.s32 s23, $0x2  }
0x27: {  	[tilespmem:s22+$0x4000] =	vst v0  }
0x28: {  	[tilespmem:s22+$0x2000] =	vst v0  }
0x29: {  	[tilespmem:s22+$0x3000] =	vst v0;
	s21 =	simm.s32 $0x0  }
0x2a: {  	v2 =	vld [tilespmem:s21+$0x1800]  }
0x2b: {  	v3 =	vld [tilespmem:s21+$0x1000]  }
0x2c: {  	v4 =	vld [tilespmem:s21+$0x800];
	_ =	sdelay $0x1  }
0x2d: {  	v5 =	vld [tilespmem:s21+$0x0]  }
0x2e: {  	v2 =	vshll.u32 v2, $0x5  }
0x2f: {  	v2 =	vadd.s32 v2, v3  }
0x30: {  	vm1 =	veq.s32 v4, $0x1;
	v2 =	vadd.s32 v1, v2  }
0x31: {  	v3 =	vsel vm1, $0x3F800000, v0  }
0x32: {  	v4 =	vmul.f32 v3, v5;
	_ =	sdelay $0x1  }
0x33: {  	v5 =	vmul.f32 v4, v5  }
0x34: {  	[tilespmem:v2+s14+$0x0] =	vst.idx.add.f32.msk $0xffff, v4  }
0x35: {  	s22 =	simm.s32 $0x40;
	s23 =	simm.s32 $0x80;
	s21 =	simm.s32 $0x0;
	[tilespmem:v2+s15+$0x0] =	vst.idx.add.f32.msk $0xffff, v5  }
.LBB2_4:
0x36: {  	p1 =	sne.s32 s23, $0x1FC0  }
0x37: {  	s24 =	sshra.s32 s22, $0x2;
	[tilespmem:v2+s16+$0x0] =	vst.idx.add.f32.msk $0xffff, v3;
	s22 =	smov.u32 s23;
	s23 =	sadd.s32 $0x40, s23  }
0x38: {  	v2 =	vld [tilespmem:s24+$0x1800]  }
0x39: {  	v3 =	vld [tilespmem:s24+$0x1000]  }
0x3a: {  	v4 =	vld [tilespmem:s24+$0x800];
	_ =	sdelay $0x1  }
0x3b: {  	v5 =	vld [tilespmem:s24+$0x0]  }
0x3c: {  	v2 =	vshll.u32 v2, $0x5  }
0x3d: {  	v2 =	vadd.s32 v2, v3  }
0x3e: {  	vm1 =	veq.s32 v4, $0x1;
	v2 =	vadd.s32 v1, v2  }
0x3f: {  	v3 =	vsel vm1, $0x3F800000, v0  }
.Ltmp1:
0x40: {  	v4 =	vmul.f32 v3, v5;
	(pc) =	sbr.rel @p1 .LBB2_4-.Ltmp1, $4  }
0x41: {  	_ = 	snop  }
0x42: {  	v5 =	vmul.f32 v4, v5  }
0x43: {  	[tilespmem:v2+s14+$0x0] =	vst.idx.add.f32.msk $0xffff, v4  }
0x44: {  	[tilespmem:v2+s15+$0x0] =	vst.idx.add.f32.msk $0xffff, v5  }
0x45: {  	_ =	sdelay $0x3  }
0x46: {  	s22 =	sshra.s32 s22, $0x2;
	[tilespmem:v2+s16+$0x0] =	vst.idx.add.f32.msk $0xffff, v3  }
0x47: {  	v2 =	vld [tilespmem:s22+$0x1800]  }
0x48: {  	v3 =	vld [tilespmem:s22+$0x1000]  }
0x49: {  	v4 =	vld [tilespmem:s22+$0x800];
	_ =	sdelay $0x1  }
0x4a: {  	v5 =	vld [tilespmem:s22+$0x0]  }
0x4b: {  	v2 =	vshll.u32 v2, $0x5  }
0x4c: {  	v2 =	vadd.s32 v2, v3  }
0x4d: {  	vm1 =	veq.s32 v4, $0x1;
	v2 =	vadd.s32 v1, v2  }
0x4e: {  	v3 =	vsel vm1, $0x3F800000, v0  }
0x4f: {  	v4 =	vmul.f32 v3, v5;
	_ =	sdelay $0x1  }
0x50: {  	v5 =	vmul.f32 v4, v5  }
0x51: {  	[tilespmem:v2+s14+$0x0] =	vst.idx.add.f32.msk $0xffff, v4  }
0x52: {  	s31 =	sand.u32 $0xF80, s21;
	s24 =	sand.u32 $0x70, s21;
	[tilespmem:v2+s15+$0x0] =	vst.idx.add.f32.msk $0xffff, v5  }
0x53: {  	s23 =	sand.u32 $0xF, s21;
	s25 =	sor.u32 s24, s31;
	[tilespmem:v2+s16+$0x0] =	vst.idx.add.f32.msk $0xffff, v3  }
0x54: {  	s22 =	sand.u32 $0xF0, s21;
	p1 =	sne.s32 s23, $0x0;
	v2 =	vld [tilespmem:s25+$0x2000]  }
0x55: {  	v4 =	vld @p1 [tilespmem:s22+$0x5000];
	_ =	sdelay $0x4  }
0x56: {  	v5 =	vadd.f32 @p1 v4, v2  }
0x57: {  	s23 =	sand.u32 @p1 $0x80, s21;
	v3 =	vld [tilespmem:s25+$0x4000]  }
0x58: {  	v4 =	vld [tilespmem:s25+$0x3000];
	s25 =	sor.u32 @p1 s24, s23;
	[tilespmem:s22+$0x5000] =	vst @p1 v5  }
0x59: {  	v5 =	vld @p1 [tilespmem:s25+$0x5100]  }
0x5a: {  	v6 =	vld @p1 [tilespmem:s25+$0x5200];
	_ =	sdelay $0x3  }
0x5b: {  	v7 =	vadd.f32 @p1 v5, v4  }
0x5c: {  	s26 =	sand.u32 @!p1 $0x80, s21;
	v5 =	vadd.f32 @p1 v6, v3  }
0x5d: {  	s23 =	simm.s32 $0x101;
	s24 =	sor.u32 @!p1 s24, s26;
	[tilespmem:s25+$0x5100] =	vst @p1 v7  }
.LBB2_6:
0x5e: {  	[tilespmem:s25+$0x5200] =	vst @p1 v5;
	s21 =	sadd.s32 $0x1, s21;
	s25 =	smov.u32 s23;
	s23 =	sadd.s32 $0x101, s23  }
0x5f: {  	p2 =	sne.s32 s23, $0x10100;
	[tilespmem:s22+$0x5000] =	vst @!p1 v2  }
0x60: {  	s26 =	sand.u32 $0xF, s21;
	s25 =	sand.u32 $0xF80, s25;
	s28 =	sand.u32 $0x70, s21;
	[tilespmem:s24+$0x5100] =	vst @!p1 v4  }
0x61: {  	s22 =	sand.u32 $0xF0, s21;
	s25 =	sor.u32 s28, s25;
	[tilespmem:s24+$0x5200] =	vst @!p1 v3;
	p1 =	sne.s32 s26, $0x0  }
0x62: {  	v2 =	vld [tilespmem:s25+$0x2000];
	s26 =	sand.u32 @p1 $0x80, s21;
	s24 =	sand.u32 @!p1 $0x80, s21  }
0x63: {  	v4 =	vld @p1 [tilespmem:s22+$0x5000];
	s24 =	sor.u32 @!p1 s28, s24;
	_ =	sdelay $0x4  }
0x64: {  	v3 =	vld [tilespmem:s25+$0x4000];
	v5 =	vadd.f32 @p1 v4, v2  }
0x65: {  	v4 =	vld [tilespmem:s25+$0x3000]  }
0x66: {  	s25 =	sor.u32 @p1 s28, s26;
	[tilespmem:s22+$0x5000] =	vst @p1 v5  }
0x67: {  	v5 =	vld @p1 [tilespmem:s25+$0x5100]  }
0x68: {  	v6 =	vld @p1 [tilespmem:s25+$0x5200];
	_ =	sdelay $0x1  }
.Ltmp2:
0x69: {  	(pc) =	sbr.rel @p2 .LBB2_6-.Ltmp2, $4  }
0x6a: {  	_ = 	snop  }
0x6b: {  	v7 =	vadd.f32 @p1 v5, v4  }
0x6c: {  	v5 =	vadd.f32 @p1 v6, v3  }
0x6d: {  	[tilespmem:s25+$0x5100] =	vst @p1 v7  }
0x6e: {  	[tilespmem:s25+$0x5200] =	vst @p1 v5  }
0x6f: {  	[tilespmem:s22+$0x5000] =	vst @!p1 v2  }
0x70: {  	[tilespmem:s24+$0x5100] =	vst @!p1 v4  }
0x71: {  	[tilespmem:s24+$0x5200] =	vst @!p1 v3  }
0x72: {  	[hbm4b:s8+s17] =	stream.strided.scatter [tilespmem:s19], [sflag:$0x1], $0x300, s18, s17, $0x38;
	[tilespmem:$0x5300] =	vst v63  }
0x73: {  	_ =	swait.ge [sflag:s10], $0x300  }
0x74: {  	[sflag:s10] =	ssyncset.done $0x0  }
0x75: {  	[sflag:s10] =	ssyncadd.s32 $0xFFFFFD00  }
0x76: {  	v2 =	vld @!p0 [tilespmem:$0x1FF0];
	_ =	sdelay $0x4  }
0x77: {  	v2 =	vxor.u32 @!p0 $0x80000000, v2  }
0x78: {  	(xrf0) =	vmax.scan.msk.u32 @!p0 $0xffff, v2;
	_ =	sdelay $0x5  }
0x79: {  	v2, _, _ =	vpop @!p0 (xrf0)  }
0x7a: {  	(v2sf) =	vpush @!p0 v2, $0xF;
	_ =	sdelay $0xe  }
0x7b: {  	s21 =	spop @!p0 (v2sf)  }
0x7c: {  	s21 =	sadd.s32 @!p0 $0x80000001, s21  }
0x7d: {  	s21 =	scvt.s32.f32 @!p0 s21;
	_ =	sdelay $0x1  }
0x7e: {  	v2 =	vmov @!p0 s21  }
0x7f: {  	s20 =	sadd.s32 $0x1, s20;
	v2 =	vnsel @!p0 vm0, $0x0, v2  }
0x80: {  	s22 =	simm.s32 @!p0 $0x5000;
	p1 =	sne.s32 s20, s9;
	s21 =	simm.s32 @!p0 $0x0;
	[tilespmem:$0x5000] =	vst @!p0 v2  }
0x81: {  	[hbm4b:s2+s21] =	stream.linear.scatter @!p0 [tilespmem:s22], [sflag:$0x1], $0x10, $0x38;
	[tilespmem:$0x5300] =	vst v63  }
.Ltmp3:
0x82: {  	_ = 	snop;
	(pc) =	sbr.rel @p1 .LBB2_1-.Ltmp3, $4  }
0x83: {  	s21 =	simm.s32 @!p0 $0x1  }
0x84: {  	_ =	swait.ge @!p0 [sflag:s21], $0x10  }
0x85: {  	[sflag:s21] =	ssyncset.done @!p0 $0x0  }
0x86: {  	[sflag:s21] =	ssyncadd.s32 @!p0 $0xFFFFFFF0  }
0x87: {  	_ =	sfence.sel $0x180000  }
0x88: {  	[bflag:$0x0] =	sbarrier.arrive $0xFFFF  }
0x89: {  	p0 =	sne.s32 s0, $0x0;
	_ =	strace $0x90000047  }
0x8a: {  	s0 =	sadd.s32 @!p0 $0x100000, s1;
	[bflag:$0x2] =	sbarrier.arrive $0xFFFF  }
0x8b: {  	[sflag:s0] =	ssyncadd.tile.s32 @!p0 $0x1;
	_ =	shalt  }
.Lfunc_end2:
_tile_overlayer_lowered:
.L_overlay_start_2:
0x8c: {  	(tag) =	ssettag $0x2  }
0x8d: {  	s0 =	rddreg [dreg:$0x0];
	s2 =	stileid.u32  }
0x8e: {  	s1 =	rddreg [dreg:$0x1];
	p0 =	sne.s32 s2, $0x0  }
0x8f: {  	s3 =	rddreg [dreg:$0x2];
	[bflag:$0x3] =	sbarrier.arrive $0xFFFF;
	s2 =	simm.s32 @!p0 $0x1C01  }
0x90: {  	[timem:s3], [sflag:s2] =	dma.local @!p0 [hbm:s0], s1  }
0x91: {  	s0 =	simm.s32 @!p0 $0x1  }
0x92: {  	_ =	swait.ge @!p0 [sflag:s0], s1  }
0x93: {  	s1 =	ssub.s32 @!p0 $0x0, s1;
	[sflag:s0] =	ssyncset.done @!p0 $0x0  }
0x94: {  	[sflag:s0] =	ssyncadd.s32 @!p0 s1  }
0x95: {  	[bflag:$0x3] =	sbarrier.arrive $0xFFFF  }
0x96: {  	_ =	shalt  }

</sc_bundles>
